<compile_context>
chip_gen: v7x
topology: tpu7x:2x2x1
jax: 0.10.2.dev20260603
libtpu: 0.0.44.dev20260713+nightly
codegen_flags: <defaults>
</compile_context>

<pallas_src>
import functools

import jax
import jax.numpy as jnp
from jax import lax
from jax.experimental import pallas as pl
from jax.experimental.pallas import tpu as pltpu
from jax.experimental.pallas import tpu_sc as plsc

_B, _D, _E, _K = 4096, 1024, 8, 2
_TILE = 512
_L = 2 * _B + _E * _TILE
_NT = _L // _TILE
_BT = 1024
_NW = 32
_PPW = 2 * _B // _NW
_TPW = _B // _NW
_CH = 64


H = _D // 2


def _pack_bf16(y):
    yb = y.astype(jnp.bfloat16)
    lo = jax.lax.bitcast_convert_type(yb[:, :H], jnp.int16).astype(jnp.int32)
    hi = jax.lax.bitcast_convert_type(yb[:, H:], jnp.int16).astype(jnp.int32)
    return (lo & 0xFFFF) | (hi << 16)


def _unpack_bf16(p):
    lo = jax.lax.bitcast_convert_type(p.astype(jnp.int16), jnp.bfloat16)
    hi = jax.lax.bitcast_convert_type(
        (p >> 16).astype(jnp.int16), jnp.bfloat16)
    return jnp.concatenate([lo, hi], axis=1)


def _router_body(x_ref, wg_ref, bg_ref,
                 topi_ref, i1_ref, i2_ref, w1_ref, w2_ref, xb_ref):
    xt = x_ref[...]
    logits = jax.lax.dot_general(
        xt, wg_ref[...], (((1,), (1,)), ((), ())),
        preferred_element_type=jnp.float32) + bg_ref[...]
    iota = jax.lax.broadcasted_iota(jnp.int32, logits.shape, 1)
    v1 = jnp.max(logits, axis=1, keepdims=True)
    i1 = jnp.min(jnp.where(logits == v1, iota, _E), axis=1, keepdims=True)
    masked = jnp.where(iota == i1, -jnp.inf, logits)
    v2 = jnp.max(masked, axis=1, keepdims=True)
    i2 = jnp.min(jnp.where(masked == v2, iota, _E), axis=1, keepdims=True)
    t = jnp.exp(v2 - v1)
    denom = 1.0 + t
    w1 = 1.0 / denom
    w2 = t / denom
    xb_ref[...] = _pack_bf16(xt)
    c0 = jnp.zeros(logits.shape, jnp.int32)
    topi_ref[...] = jnp.where(iota == 0, i1, jnp.where(iota == 1, i2, c0))
    i1_ref[...] = i1
    i2_ref[...] = i2
    w1_ref[...] = w1
    w2_ref[...] = w2


def _tables_body(e1_ref, e2_ref, pos0_ref, pos1_ref, te_ref):
    e1 = e1_ref[...]
    e2 = e2_ref[...]
    r_iota = jax.lax.broadcasted_iota(jnp.int32, (128, 128), 0)
    c_iota = jax.lax.broadcasted_iota(jnp.int32, (128, 128), 1)
    ut = (r_iota < c_iota).astype(jnp.float32)
    r32 = jax.lax.broadcasted_iota(jnp.int32, (32, 32), 0)
    c32 = jax.lax.broadcasted_iota(jnp.int32, (32, 32), 1)
    lt = (c32 < r32).astype(jnp.float32)

    cnts = []
    ranks0 = []
    ranks1 = []
    m0s = []
    m1s = []
    for e in range(_E):
        m0 = (e1 == e).astype(jnp.float32)
        m1 = (e2 == e).astype(jnp.float32)
        rp0 = jax.lax.dot_general(m0, ut, (((1,), (0,)), ((), ())),
                                  preferred_element_type=jnp.float32)
        rp1 = jax.lax.dot_general(m1, ut, (((1,), (0,)), ((), ())),
                                  preferred_element_type=jnp.float32)
        tot0 = jnp.sum(m0, axis=1, keepdims=True)
        tot1 = jnp.sum(m1, axis=1, keepdims=True)
        rb0 = jax.lax.dot_general(lt, tot0, (((1,), (0,)), ((), ())),
                                  preferred_element_type=jnp.float32)
        rb1 = jax.lax.dot_general(lt, tot1, (((1,), (0,)), ((), ())),
                                  preferred_element_type=jnp.float32)
        cnt0 = jnp.sum(tot0)
        rank0 = rp0 + rb0
        rank1 = cnt0 + rp1 + rb1
        cnts.append(cnt0 + jnp.sum(tot1))
        ranks0.append(rank0)
        ranks1.append(rank1)
        m0s.append(m0)
        m1s.append(m1)

    start = 0.0
    pos0 = jnp.zeros((32, 128), jnp.float32)
    pos1 = jnp.zeros((32, 128), jnp.float32)
    te_acc = jnp.full((8, 128), -1, jnp.int32)
    tau = (jax.lax.broadcasted_iota(jnp.int32, (8, 128), 0) * 128
           + jax.lax.broadcasted_iota(jnp.int32, (8, 128), 1)).astype(jnp.float32)
    for e in range(_E):
        pos0 = pos0 + m0s[e] * (start + ranks0[e])
        pos1 = pos1 + m1s[e] * (start + ranks1[e])
        te_acc = te_acc + (tau * float(_TILE) >= start).astype(jnp.int32)
        padded = jnp.ceil(cnts[e] / _TILE) * _TILE
        start = start + padded
    pos0_ref[...] = pos0.astype(jnp.int32)
    pos1_ref[...] = pos1.astype(jnp.int32)
    used = (start / _TILE).astype(jnp.int32)
    te_ref[...] = jnp.where(tau.astype(jnp.int32) == _NT, used,
                            jnp.clip(te_acc, 0, _E - 1))


def _matmul_body(te_ref, xg_ref, we_ref, be_ref, y_ref, web_ref):
    i = pl.program_id(0)
    used = te_ref[_NT]

    @pl.when(i < used)
    def _run():
        fresh = jnp.logical_or(i == 0, te_ref[i] != te_ref[i - 1])

        @pl.when(fresh)
        def _cast():
            web_ref[...] = we_ref[0].astype(jnp.bfloat16)

        p = xg_ref[...]
        lo = jax.lax.bitcast_convert_type(p.astype(jnp.int16), jnp.bfloat16)
        hi = jax.lax.bitcast_convert_type(
            (p >> 16).astype(jnp.int16), jnp.bfloat16)
        y = (jax.lax.dot_general(
                lo, web_ref[:, :H], (((1,), (1,)), ((), ())),
                preferred_element_type=jnp.float32)
             + jax.lax.dot_general(
                hi, web_ref[:, H:], (((1,), (1,)), ((), ())),
                preferred_element_type=jnp.float32)
             + be_ref[0])
        y_ref[...] = _pack_bf16(y)


def _combine_body(w1_ref, w2_ref, y0_ref, y1_ref, out_ref):
    p0 = y0_ref[...]
    p1 = y1_ref[...]
    w1 = w1_ref[...]
    w2 = w2_ref[...]

    def _lo(p):
        return jax.lax.bitcast_convert_type(
            p.astype(jnp.int16), jnp.bfloat16).astype(jnp.float32)

    def _hi(p):
        return jax.lax.bitcast_convert_type(
            (p >> 16).astype(jnp.int16), jnp.bfloat16).astype(jnp.float32)

    out_ref[:, :H] = w1 * _lo(p0) + w2 * _lo(p1)
    out_ref[:, H:] = w1 * _hi(p0) + w2 * _hi(p1)


_CH2 = 64


def _sc_dispatch_body(xb_hbm, pos0_hbm, pos1_hbm, xg_hbm,
                      idx0, idx1, rows0, rows1, l0, l1, s0, s1):
    nc = 2
    wid = lax.axis_index("s") * nc + lax.axis_index("c")
    base = wid * (_B // _NW)
    nch = _PPW // _CH2
    idxs = (idx0, idx1)
    rows = (rows0, rows1)
    lsems = (l0, l1)
    ssems = (s0, s1)

    def load(i):
        b = i % 2
        slot_hbm = pos0_hbm if i < nch // 2 else pos1_hbm
        toff = base + (i % (nch // 2)) * _CH2
        ca = pltpu.async_copy(xb_hbm.at[pl.ds(toff, _CH2)], rows[b], lsems[b])
        cb = pltpu.async_copy(slot_hbm.at[pl.ds(toff, _CH2)], idxs[b], lsems[b])
        return ca, cb

    loads = [None] * nch
    scat = [None] * nch
    loads[0] = load(0)
    for i in range(nch):
        b = i % 2
        loads[i][0].wait()
        loads[i][1].wait()
        scat[i] = pltpu.async_copy(rows[b], xg_hbm.at[idxs[b]], ssems[b])
        if i + 1 < nch:
            if i - 1 >= 0:
                scat[i - 1].wait()
            loads[i + 1] = load(i + 1)
    scat[nch - 1].wait()
    if nch >= 2:
        scat[nch - 2].wait()


def _sc_unpermute_body(yp_hbm, pos0_hbm, pos1_hbm, y0_hbm, y1_hbm,
                       idx0_v, idx1_v, r0_v, r1_v, lsem, g0, g1, w0, w1):
    nc = 2
    wid = lax.axis_index("s") * nc + lax.axis_index("c")
    base = wid * _TPW
    nj = 2 * (_TPW // _CH2)
    rows = (r0_v, r1_v)
    gsems = (g0, g1)
    wsems = (w0, w1)

    ca = pltpu.async_copy(pos0_hbm.at[pl.ds(base, _TPW)], idx0_v, lsem)
    cb = pltpu.async_copy(pos1_hbm.at[pl.ds(base, _TPW)], idx1_v, lsem)
    ca.wait()
    cb.wait()

    def gather(j):
        b = j % 2
        chunkpos = j // 2
        idx_full = idx0_v if (j & 1) == 0 else idx1_v
        return pltpu.async_copy(
            yp_hbm.at[idx_full.at[pl.ds(chunkpos * _CH2, _CH2)]],
            rows[b], gsems[b])

    def store(j):
        b = j % 2
        chunkpos = j // 2
        off = base + chunkpos * _CH2
        yout = y0_hbm if (j & 1) == 0 else y1_hbm
        return pltpu.async_copy(rows[b], yout.at[pl.ds(off, _CH2)], wsems[b])

    g = [None] * nj
    wr = [None] * nj
    g[0] = gather(0)
    for j in range(nj):
        g[j].wait()
        if j + 1 < nj:
            if j - 1 >= 0:
                wr[j - 1].wait()
            g[j + 1] = gather(j + 1)
        wr[j] = store(j)
    wr[nj - 1].wait()
    if nj >= 2:
        wr[nj - 2].wait()


def _sc_dispatch(xb, pos0, pos1):
    mesh = plsc.VectorSubcoreMesh(core_axis_name="c", subcore_axis_name="s")
    return pl.kernel(
        _sc_dispatch_body,
        mesh=mesh,
        out_type=jax.ShapeDtypeStruct((_L, _D // 2), jnp.int32),
        scratch_types=[
            pltpu.VMEM((_CH2,), jnp.int32),
            pltpu.VMEM((_CH2,), jnp.int32),
            pltpu.VMEM((_CH2, _D // 2), jnp.int32),
            pltpu.VMEM((_CH2, _D // 2), jnp.int32),
            pltpu.SemaphoreType.DMA,
            pltpu.SemaphoreType.DMA,
            pltpu.SemaphoreType.DMA,
            pltpu.SemaphoreType.DMA,
        ],
    )(xb, pos0, pos1)


def _sc_unpermute(yperm, pos0, pos1):
    mesh = plsc.VectorSubcoreMesh(core_axis_name="c", subcore_axis_name="s")
    return pl.kernel(
        _sc_unpermute_body,
        mesh=mesh,
        out_type=[
            jax.ShapeDtypeStruct((_B, _D // 2), jnp.int32),
            jax.ShapeDtypeStruct((_B, _D // 2), jnp.int32),
        ],
        scratch_types=[
            pltpu.VMEM((_TPW,), jnp.int32),
            pltpu.VMEM((_TPW,), jnp.int32),
            pltpu.VMEM((_CH2, _D // 2), jnp.int32),
            pltpu.VMEM((_CH2, _D // 2), jnp.int32),
            pltpu.SemaphoreType.DMA,
            pltpu.SemaphoreType.DMA,
            pltpu.SemaphoreType.DMA,
            pltpu.SemaphoreType.DMA,
            pltpu.SemaphoreType.DMA,
        ],
    )(yperm, pos0, pos1)


def _router(x, Wg, bg):
    nt = _B // _BT
    return pl.pallas_call(
        _router_body,
        grid=(nt,),
        in_specs=[
            pl.BlockSpec((_BT, _D), lambda i: (i, 0)),
            pl.BlockSpec((_E, _D), lambda i: (0, 0)),
            pl.BlockSpec((1, _E), lambda i: (0, 0)),
        ],
        out_specs=[
            pl.BlockSpec((_BT, _E), lambda i: (i, 0)),
            pl.BlockSpec((_BT, 1), lambda i: (i, 0)),
            pl.BlockSpec((_BT, 1), lambda i: (i, 0)),
            pl.BlockSpec((_BT, 1), lambda i: (i, 0)),
            pl.BlockSpec((_BT, 1), lambda i: (i, 0)),
            pl.BlockSpec((_BT, _D // 2), lambda i: (i, 0)),
        ],
        out_shape=[
            jax.ShapeDtypeStruct((_B, _E), jnp.int32),
            jax.ShapeDtypeStruct((_B, 1), jnp.int32),
            jax.ShapeDtypeStruct((_B, 1), jnp.int32),
            jax.ShapeDtypeStruct((_B, 1), jnp.float32),
            jax.ShapeDtypeStruct((_B, 1), jnp.float32),
            jax.ShapeDtypeStruct((_B, _D // 2), jnp.int32),
        ],
    )(x, Wg, bg.reshape(1, _E))


def _tables(e1, e2):
    return pl.pallas_call(
        _tables_body,
        grid=(1,),
        in_specs=[
            pl.BlockSpec((32, 128), lambda i: (0, 0)),
            pl.BlockSpec((32, 128), lambda i: (0, 0)),
        ],
        out_specs=[
            pl.BlockSpec((32, 128), lambda i: (0, 0)),
            pl.BlockSpec((32, 128), lambda i: (0, 0)),
            pl.BlockSpec((8, 128), lambda i: (0, 0)),
        ],
        out_shape=[
            jax.ShapeDtypeStruct((32, 128), jnp.int32),
            jax.ShapeDtypeStruct((32, 128), jnp.int32),
            jax.ShapeDtypeStruct((8, 128), jnp.int32),
        ],
    )(e1, e2)


def _grouped_matmul(te, xg, We, be):
    grid_spec = pltpu.PrefetchScalarGridSpec(
        num_scalar_prefetch=1,
        grid=(_NT,),
        in_specs=[
            pl.BlockSpec((_TILE, _D // 2), lambda i, te_ref: (i, 0)),
            pl.BlockSpec((1, _D, _D), lambda i, te_ref: (te_ref[i], 0, 0)),
            pl.BlockSpec((1, 1, _D), lambda i, te_ref: (te_ref[i], 0, 0)),
        ],
        out_specs=pl.BlockSpec((_TILE, _D // 2), lambda i, te_ref: (i, 0)),
        scratch_shapes=[pltpu.VMEM((_D, _D), jnp.bfloat16)],
    )
    return pl.pallas_call(
        _matmul_body,
        grid_spec=grid_spec,
        out_shape=jax.ShapeDtypeStruct((_L, _D // 2), jnp.int32),
    )(te, xg, We, be.reshape(_E, 1, _D))


def _combine(w1, w2, y0, y1):
    nt = _B // _BT
    return pl.pallas_call(
        _combine_body,
        grid=(nt,),
        in_specs=[
            pl.BlockSpec((_BT, 1), lambda i: (i, 0)),
            pl.BlockSpec((_BT, 1), lambda i: (i, 0)),
            pl.BlockSpec((_BT, _D // 2), lambda i: (i, 0)),
            pl.BlockSpec((_BT, _D // 2), lambda i: (i, 0)),
        ],
        out_specs=pl.BlockSpec((_BT, _D), lambda i: (i, 0)),
        out_shape=jax.ShapeDtypeStruct((_B, _D), jnp.float32),
    )(w1, w2, y0, y1)


@jax.jit
def _moe(x, Wg, bg, We, be):
    topi, i1, i2, w1, w2, xb = _router(x, Wg, bg)
    e1 = i1.reshape(32, 128)
    e2 = i2.reshape(32, 128)
    pos0_2d, pos1_2d, te_pad = _tables(e1, e2)
    pos0 = pos0_2d.reshape(_B)
    pos1 = pos1_2d.reshape(_B)
    te = te_pad.reshape(-1)[:_NT + 1]
    xg = _sc_dispatch(xb, pos0, pos1)
    yperm = _grouped_matmul(te, xg, We, be)
    y0, y1 = _sc_unpermute(yperm, pos0, pos1)
    out = _combine(w1, w2, y0, y1)
    return out, topi[:, :_K]


def kernel(x, Wg, bg, We, be):
    return _moe(x, Wg, bg, We, be)

# --- scband reference (transcript-rebuilt; emitter-appended) ---
"""Pipeline reference for scband-sparse-mo-e-49804440764916 (READ-ONLY COPY).

The authoritative reference and input builder live on the scoring server;
editing this copy changes nothing except your own understanding.
"""

import jax, jax.numpy as jnp
import numpy as np

B, D, E, K = 4096, 1024, 8, 2

def setup_inputs(seed: int = 0) -> dict:
    key = jax.random.key(seed)
    ks = jax.random.split(key, 5)
    x = jax.random.normal(ks[0], (B, D), dtype=jnp.float32)
    # Gating network params (nn.Linear(input_dim, num_experts))
    Wg = jax.random.normal(ks[1], (E, D), dtype=jnp.float32) * 0.02
    bg = jnp.zeros((E,), dtype=jnp.float32)
    # Expert params: E copies of nn.Linear(D, D)
    We = jax.random.normal(ks[2], (E, D, D), dtype=jnp.float32) * 0.02
    be = jnp.zeros((E, D), dtype=jnp.float32)
    return {"x": x, "Wg": Wg, "bg": bg, "We": We, "be": be}

def reference(x, Wg, bg, We, be):
    # GatingNetwork: x is 2D so no pooling/reshape branch taken
    logits = x @ Wg.T + bg                      # [B, E]
    top_v, top_i = jax.lax.top_k(logits, K)     # [B, K]
    weights = jax.nn.softmax(top_v, axis=1)     # [B, K]
    Bsz = x.shape[0]
    nE = Wg.shape[0]
    # Combine weights per expert (equivalent to mask.scatter_ then the
    # per-expert gather + scale + index_add in the torch loop; tokens not
    # routed to expert i get exact weight 0 so the dense form is the same math)
    rows = jnp.arange(Bsz)[:, None]
    comb = jnp.zeros((Bsz, nE), dtype=x.dtype).at[rows, top_i].add(weights)  # [B, E]
    # Each expert is a Linear(D, D): out_e = x @ We[e].T + be[e]
    expert_out = jnp.einsum('bd,ehd->beh', x, We) + be[None, :, :]  # [B, E, D]
    final_output = jnp.sum(comb[:, :, None] * expert_out, axis=1)   # [B, D]
    return (final_output, top_i)

if __name__ == "__main__":
    import jax
    _d = setup_inputs()
    print(jax.jit(kernel)(*tuple(_d.values())))

</pallas_src>

<mosaic_0001>
#map = affine_map<(d0, d1) -> (0, 0)>
#map1 = affine_map<(d0, d1) -> (0)>
module attributes {stable_mosaic.version = 14 : i64} {
  func.func @_sc_unpermute_body(%arg0: i32, %arg1: i32, %arg2: memref<12288x512xi32, #tpu.memory_space<hbm>>, %arg3: memref<4096xi32, #tpu.memory_space<hbm>>, %arg4: memref<4096xi32, #tpu.memory_space<hbm>>, %arg5: memref<4096x512xi32, #tpu.memory_space<hbm>>, %arg6: memref<4096x512xi32, #tpu.memory_space<hbm>>, %arg7: memref<128xi32, #tpu.memory_space<vmem>>, %arg8: memref<128xi32, #tpu.memory_space<vmem>>, %arg9: memref<64x512xi32, #tpu.memory_space<vmem>>, %arg10: memref<64x512xi32, #tpu.memory_space<vmem>>, %arg11: memref<!tpu.dma_semaphore, #tpu.memory_space<semaphore_mem>>, %arg12: memref<!tpu.dma_semaphore, #tpu.memory_space<semaphore_mem>>, %arg13: memref<!tpu.dma_semaphore, #tpu.memory_space<semaphore_mem>>, %arg14: memref<!tpu.dma_semaphore, #tpu.memory_space<semaphore_mem>>, %arg15: memref<!tpu.dma_semaphore, #tpu.memory_space<semaphore_mem>>) attributes {dimension_semantics = [#tpu.dimension_semantics<core_parallel>, #tpu.dimension_semantics<subcore_parallel>], iteration_bounds = array<i64: 2, 16>, scalar_prefetch = 0 : i64, scratch_operands = 9 : i64, tpu.core_type = #tpu.core_type<sc_vector_subcore>, window_params = [{transform_indices = #map}, {transform_indices = #map1}, {transform_indices = #map1}, {transform_indices = #map}, {transform_indices = #map}]} {
    %mul3A = arith.constant 2 : i32
    %mul3A_0 = arith.muli %arg1, %mul3A : i32
    %add3A = arith.addi %mul3A_0, %arg0 : i32
    %mul3A_1 = arith.constant 128 : i32
    %mul3A_2 = arith.muli %add3A, %mul3A_1 : i32
    %dma_start3A = tpu.memref_slice %arg3[%mul3A_2] : memref<4096xi32, #tpu.memory_space<hbm>> -> memref<128xi32, #tpu.memory_space<hbm>>
    %dma_start3A_3 = tpu.memref_slice %arg3[%mul3A_2] : memref<4096xi32, #tpu.memory_space<hbm>> -> memref<128xi32, #tpu.memory_space<hbm>>
    tpu.enqueue_dma source(%dma_start3A_3 : memref<128xi32, #tpu.memory_space<hbm>>) target(%arg7 : memref<128xi32, #tpu.memory_space<vmem>>) target_semaphore(%arg11 : memref<!tpu.dma_semaphore, #tpu.memory_space<semaphore_mem>>)
    %dma_start3A_4 = tpu.memref_slice %arg4[%mul3A_2] : memref<4096xi32, #tpu.memory_space<hbm>> -> memref<128xi32, #tpu.memory_space<hbm>>
    %dma_start3A_5 = tpu.memref_slice %arg4[%mul3A_2] : memref<4096xi32, #tpu.memory_space<hbm>> -> memref<128xi32, #tpu.memory_space<hbm>>
    tpu.enqueue_dma source(%dma_start3A_5 : memref<128xi32, #tpu.memory_space<hbm>>) target(%arg8 : memref<128xi32, #tpu.memory_space<vmem>>) target_semaphore(%arg11 : memref<!tpu.dma_semaphore, #tpu.memory_space<semaphore_mem>>)
    %dma_wait3A = tpu.memref_slice %arg3[%mul3A_2] : memref<4096xi32, #tpu.memory_space<hbm>> -> memref<128xi32, #tpu.memory_space<hbm>>
    %dma_wait3A_6 = tpu.memref_slice %arg3[%mul3A_2] : memref<4096xi32, #tpu.memory_space<hbm>> -> memref<128xi32, #tpu.memory_space<hbm>>
    tpu.wait_dma2 semaphore(%arg11 : memref<!tpu.dma_semaphore, #tpu.memory_space<semaphore_mem>>) src(%dma_wait3A_6 : memref<128xi32, #tpu.memory_space<hbm>>) dst(%arg7 : memref<128xi32, #tpu.memory_space<vmem>>)
    %dma_wait3A_7 = tpu.memref_slice %arg4[%mul3A_2] : memref<4096xi32, #tpu.memory_space<hbm>> -> memref<128xi32, #tpu.memory_space<hbm>>
    %dma_wait3A_8 = tpu.memref_slice %arg4[%mul3A_2] : memref<4096xi32, #tpu.memory_space<hbm>> -> memref<128xi32, #tpu.memory_space<hbm>>
    tpu.wait_dma2 semaphore(%arg11 : memref<!tpu.dma_semaphore, #tpu.memory_space<semaphore_mem>>) src(%dma_wait3A_8 : memref<128xi32, #tpu.memory_space<hbm>>) dst(%arg8 : memref<128xi32, #tpu.memory_space<vmem>>)
    %dma_start3A_9 = arith.constant 0 : i32
    %dma_start3A_10 = tpu.memref_slice %arg7[%dma_start3A_9] : memref<128xi32, #tpu.memory_space<vmem>> -> memref<64xi32, #tpu.memory_space<vmem>>
    %dma_start3A_11 = arith.constant 0 : i32
    %dma_start3A_12 = arith.constant 0 : i32
    %dma_start3A_13 = tpu.memref_slice %arg2[%dma_start3A_11, %dma_start3A_12] : memref<12288x512xi32, #tpu.memory_space<hbm>> -> memref<12288x512xi32, #tpu.memory_space<hbm>>
    tpu.enqueue_indirect_dma source(%dma_start3A_13 : memref<12288x512xi32, #tpu.memory_space<hbm>>) target(%arg9 : memref<64x512xi32, #tpu.memory_space<vmem>>) offsets(%dma_start3A_10 : memref<64xi32, #tpu.memory_space<vmem>>) semaphore(%arg12 : memref<!tpu.dma_semaphore, #tpu.memory_space<semaphore_mem>>)
    %dma_wait3A_14 = arith.constant 0 : i32
    %dma_wait3A_15 = tpu.memref_slice %arg7[%dma_wait3A_14] : memref<128xi32, #tpu.memory_space<vmem>> -> memref<64xi32, #tpu.memory_space<vmem>>
    %dma_wait3A_16 = arith.constant 0 : i32
    %dma_wait3A_17 = arith.constant 0 : i32
    %dma_wait3A_18 = tpu.memref_slice %arg2[%dma_wait3A_16, %dma_wait3A_17] : memref<12288x512xi32, #tpu.memory_space<hbm>> -> memref<12288x512xi32, #tpu.memory_space<hbm>>
    tpu.wait_indirect_dma semaphore(%arg12 : memref<!tpu.dma_semaphore, #tpu.memory_space<semaphore_mem>>) src(%dma_wait3A_18 : memref<12288x512xi32, #tpu.memory_space<hbm>>) dst(%arg9 : memref<64x512xi32, #tpu.memory_space<vmem>>)
    %dma_start3A_19 = arith.constant 0 : i32
    %dma_start3A_20 = tpu.memref_slice %arg8[%dma_start3A_19] : memref<128xi32, #tpu.memory_space<vmem>> -> memref<64xi32, #tpu.memory_space<vmem>>
    %dma_start3A_21 = arith.constant 0 : i32
    %dma_start3A_22 = arith.constant 0 : i32
    %dma_start3A_23 = tpu.memref_slice %arg2[%dma_start3A_21, %dma_start3A_22] : memref<12288x512xi32, #tpu.memory_space<hbm>> -> memref<12288x512xi32, #tpu.memory_space<hbm>>
    tpu.enqueue_indirect_dma source(%dma_start3A_23 : memref<12288x512xi32, #tpu.memory_space<hbm>>) target(%arg10 : memref<64x512xi32, #tpu.memory_space<vmem>>) offsets(%dma_start3A_20 : memref<64xi32, #tpu.memory_space<vmem>>) semaphore(%arg13 : memref<!tpu.dma_semaphore, #tpu.memory_space<semaphore_mem>>)
    %add3A_24 = arith.constant 0 : i32
    %add3A_25 = arith.addi %mul3A_2, %add3A_24 : i32
    %dma_start3A_26 = arith.constant 0 : i32
    %dma_start3A_27 = tpu.memref_slice %arg5[%add3A_25, %dma_start3A_26] : memref<4096x512xi32, #tpu.memory_space<hbm>> -> memref<64x512xi32, #tpu.memory_space<hbm>>
    %dma_start3A_28 = arith.constant 0 : i32
    %dma_start3A_29 = tpu.memref_slice %arg5[%add3A_25, %dma_start3A_28] : memref<4096x512xi32, #tpu.memory_space<hbm>> -> memref<64x512xi32, #tpu.memory_space<hbm>>
    tpu.enqueue_dma source(%arg9 : memref<64x512xi32, #tpu.memory_space<vmem>>) target(%dma_start3A_29 : memref<64x512xi32, #tpu.memory_space<hbm>>) target_semaphore(%arg14 : memref<!tpu.dma_semaphore, #tpu.memory_space<semaphore_mem>>)
    %dma_wait3A_30 = arith.constant 0 : i32
    %dma_wait3A_31 = tpu.memref_slice %arg8[%dma_wait3A_30] : memref<128xi32, #tpu.memory_space<vmem>> -> memref<64xi32, #tpu.memory_space<vmem>>
    %dma_wait3A_32 = arith.constant 0 : i32
    %dma_wait3A_33 = arith.constant 0 : i32
    %dma_wait3A_34 = tpu.memref_slice %arg2[%dma_wait3A_32, %dma_wait3A_33] : memref<12288x512xi32, #tpu.memory_space<hbm>> -> memref<12288x512xi32, #tpu.memory_space<hbm>>
    tpu.wait_indirect_dma semaphore(%arg13 : memref<!tpu.dma_semaphore, #tpu.memory_space<semaphore_mem>>) src(%dma_wait3A_34 : memref<12288x512xi32, #tpu.memory_space<hbm>>) dst(%arg10 : memref<64x512xi32, #tpu.memory_space<vmem>>)
    %dma_wait3A_35 = arith.constant 0 : i32
    %dma_wait3A_36 = tpu.memref_slice %arg5[%add3A_25, %dma_wait3A_35] : memref<4096x512xi32, #tpu.memory_space<hbm>> -> memref<64x512xi32, #tpu.memory_space<hbm>>
    %dma_wait3A_37 = arith.constant 0 : i32
    %dma_wait3A_38 = tpu.memref_slice %arg5[%add3A_25, %dma_wait3A_37] : memref<4096x512xi32, #tpu.memory_space<hbm>> -> memref<64x512xi32, #tpu.memory_space<hbm>>
    tpu.wait_dma2 semaphore(%arg14 : memref<!tpu.dma_semaphore, #tpu.memory_space<semaphore_mem>>) src(%arg9 : memref<64x512xi32, #tpu.memory_space<vmem>>) dst(%dma_wait3A_38 : memref<64x512xi32, #tpu.memory_space<hbm>>)
    %dma_start3A_39 = arith.constant 64 : i32
    %dma_start3A_40 = tpu.memref_slice %arg7[%dma_start3A_39] : memref<128xi32, #tpu.memory_space<vmem>> -> memref<64xi32, #tpu.memory_space<vmem>>
    %dma_start3A_41 = arith.constant 0 : i32
    %dma_start3A_42 = arith.constant 0 : i32
    %dma_start3A_43 = tpu.memref_slice %arg2[%dma_start3A_41, %dma_start3A_42] : memref<12288x512xi32, #tpu.memory_space<hbm>> -> memref<12288x512xi32, #tpu.memory_space<hbm>>
    tpu.enqueue_indirect_dma source(%dma_start3A_43 : memref<12288x512xi32, #tpu.memory_space<hbm>>) target(%arg9 : memref<64x512xi32, #tpu.memory_space<vmem>>) offsets(%dma_start3A_40 : memref<64xi32, #tpu.memory_space<vmem>>) semaphore(%arg12 : memref<!tpu.dma_semaphore, #tpu.memory_space<semaphore_mem>>)
    %add3A_44 = arith.constant 0 : i32
    %add3A_45 = arith.addi %mul3A_2, %add3A_44 : i32
    %dma_start3A_46 = arith.constant 0 : i32
    %dma_start3A_47 = tpu.memref_slice %arg6[%add3A_45, %dma_start3A_46] : memref<4096x512xi32, #tpu.memory_space<hbm>> -> memref<64x512xi32, #tpu.memory_space<hbm>>
    %dma_start3A_48 = arith.constant 0 : i32
    %dma_start3A_49 = tpu.memref_slice %arg6[%add3A_45, %dma_start3A_48] : memref<4096x512xi32, #tpu.memory_space<hbm>> -> memref<64x512xi32, #tpu.memory_space<hbm>>
    tpu.enqueue_dma source(%arg10 : memref<64x512xi32, #tpu.memory_space<vmem>>) target(%dma_start3A_49 : memref<64x512xi32, #tpu.memory_space<hbm>>) target_semaphore(%arg15 : memref<!tpu.dma_semaphore, #tpu.memory_space<semaphore_mem>>)
    %dma_wait3A_50 = arith.constant 64 : i32
    %dma_wait3A_51 = tpu.memref_slice %arg7[%dma_wait3A_50] : memref<128xi32, #tpu.memory_space<vmem>> -> memref<64xi32, #tpu.memory_space<vmem>>
    %dma_wait3A_52 = arith.constant 0 : i32
    %dma_wait3A_53 = arith.constant 0 : i32
    %dma_wait3A_54 = tpu.memref_slice %arg2[%dma_wait3A_52, %dma_wait3A_53] : memref<12288x512xi32, #tpu.memory_space<hbm>> -> memref<12288x512xi32, #tpu.memory_space<hbm>>
    tpu.wait_indirect_dma semaphore(%arg12 : memref<!tpu.dma_semaphore, #tpu.memory_space<semaphore_mem>>) src(%dma_wait3A_54 : memref<12288x512xi32, #tpu.memory_space<hbm>>) dst(%arg9 : memref<64x512xi32, #tpu.memory_space<vmem>>)
    %dma_wait3A_55 = arith.constant 0 : i32
    %dma_wait3A_56 = tpu.memref_slice %arg6[%add3A_45, %dma_wait3A_55] : memref<4096x512xi32, #tpu.memory_space<hbm>> -> memref<64x512xi32, #tpu.memory_space<hbm>>
    %dma_wait3A_57 = arith.constant 0 : i32
    %dma_wait3A_58 = tpu.memref_slice %arg6[%add3A_45, %dma_wait3A_57] : memref<4096x512xi32, #tpu.memory_space<hbm>> -> memref<64x512xi32, #tpu.memory_space<hbm>>
    tpu.wait_dma2 semaphore(%arg15 : memref<!tpu.dma_semaphore, #tpu.memory_space<semaphore_mem>>) src(%arg10 : memref<64x512xi32, #tpu.memory_space<vmem>>) dst(%dma_wait3A_58 : memref<64x512xi32, #tpu.memory_space<hbm>>)
    %dma_start3A_59 = arith.constant 64 : i32
    %dma_start3A_60 = tpu.memref_slice %arg8[%dma_start3A_59] : memref<128xi32, #tpu.memory_space<vmem>> -> memref<64xi32, #tpu.memory_space<vmem>>
    %dma_start3A_61 = arith.constant 0 : i32
    %dma_start3A_62 = arith.constant 0 : i32
    %dma_start3A_63 = tpu.memref_slice %arg2[%dma_start3A_61, %dma_start3A_62] : memref<12288x512xi32, #tpu.memory_space<hbm>> -> memref<12288x512xi32, #tpu.memory_space<hbm>>
    tpu.enqueue_indirect_dma source(%dma_start3A_63 : memref<12288x512xi32, #tpu.memory_space<hbm>>) target(%arg10 : memref<64x512xi32, #tpu.memory_space<vmem>>) offsets(%dma_start3A_60 : memref<64xi32, #tpu.memory_space<vmem>>) semaphore(%arg13 : memref<!tpu.dma_semaphore, #tpu.memory_space<semaphore_mem>>)
    %add3A_64 = arith.constant 64 : i32
    %add3A_65 = arith.addi %mul3A_2, %add3A_64 : i32
    %dma_start3A_66 = arith.constant 0 : i32
    %dma_start3A_67 = tpu.memref_slice %arg5[%add3A_65, %dma_start3A_66] : memref<4096x512xi32, #tpu.memory_space<hbm>> -> memref<64x512xi32, #tpu.memory_space<hbm>>
    %dma_start3A_68 = arith.constant 0 : i32
    %dma_start3A_69 = tpu.memref_slice %arg5[%add3A_65, %dma_start3A_68] : memref<4096x512xi32, #tpu.memory_space<hbm>> -> memref<64x512xi32, #tpu.memory_space<hbm>>
    tpu.enqueue_dma source(%arg9 : memref<64x512xi32, #tpu.memory_space<vmem>>) target(%dma_start3A_69 : memref<64x512xi32, #tpu.memory_space<hbm>>) target_semaphore(%arg14 : memref<!tpu.dma_semaphore, #tpu.memory_space<semaphore_mem>>)
    %dma_wait3A_70 = arith.constant 64 : i32
    %dma_wait3A_71 = tpu.memref_slice %arg8[%dma_wait3A_70] : memref<128xi32, #tpu.memory_space<vmem>> -> memref<64xi32, #tpu.memory_space<vmem>>
    %dma_wait3A_72 = arith.constant 0 : i32
    %dma_wait3A_73 = arith.constant 0 : i32
    %dma_wait3A_74 = tpu.memref_slice %arg2[%dma_wait3A_72, %dma_wait3A_73] : memref<12288x512xi32, #tpu.memory_space<hbm>> -> memref<12288x512xi32, #tpu.memory_space<hbm>>
    tpu.wait_indirect_dma semaphore(%arg13 : memref<!tpu.dma_semaphore, #tpu.memory_space<semaphore_mem>>) src(%dma_wait3A_74 : memref<12288x512xi32, #tpu.memory_space<hbm>>) dst(%arg10 : memref<64x512xi32, #tpu.memory_space<vmem>>)
    %add3A_75 = arith.constant 64 : i32
    %add3A_76 = arith.addi %mul3A_2, %add3A_75 : i32
    %dma_start3A_77 = arith.constant 0 : i32
    %dma_start3A_78 = tpu.memref_slice %arg6[%add3A_76, %dma_start3A_77] : memref<4096x512xi32, #tpu.memory_space<hbm>> -> memref<64x512xi32, #tpu.memory_space<hbm>>
    %dma_start3A_79 = arith.constant 0 : i32
    %dma_start3A_80 = tpu.memref_slice %arg6[%add3A_76, %dma_start3A_79] : memref<4096x512xi32, #tpu.memory_space<hbm>> -> memref<64x512xi32, #tpu.memory_space<hbm>>
    tpu.enqueue_dma source(%arg10 : memref<64x512xi32, #tpu.memory_space<vmem>>) target(%dma_start3A_80 : memref<64x512xi32, #tpu.memory_space<hbm>>) target_semaphore(%arg15 : memref<!tpu.dma_semaphore, #tpu.memory_space<semaphore_mem>>)
    %dma_wait3A_81 = arith.constant 0 : i32
    %dma_wait3A_82 = tpu.memref_slice %arg6[%add3A_76, %dma_wait3A_81] : memref<4096x512xi32, #tpu.memory_space<hbm>> -> memref<64x512xi32, #tpu.memory_space<hbm>>
    %dma_wait3A_83 = arith.constant 0 : i32
    %dma_wait3A_84 = tpu.memref_slice %arg6[%add3A_76, %dma_wait3A_83] : memref<4096x512xi32, #tpu.memory_space<hbm>> -> memref<64x512xi32, #tpu.memory_space<hbm>>
    tpu.wait_dma2 semaphore(%arg15 : memref<!tpu.dma_semaphore, #tpu.memory_space<semaphore_mem>>) src(%arg10 : memref<64x512xi32, #tpu.memory_space<vmem>>) dst(%dma_wait3A_84 : memref<64x512xi32, #tpu.memory_space<hbm>>)
    %dma_wait3A_85 = arith.constant 0 : i32
    %dma_wait3A_86 = tpu.memref_slice %arg5[%add3A_65, %dma_wait3A_85] : memref<4096x512xi32, #tpu.memory_space<hbm>> -> memref<64x512xi32, #tpu.memory_space<hbm>>
    %dma_wait3A_87 = arith.constant 0 : i32
    %dma_wait3A_88 = tpu.memref_slice %arg5[%add3A_65, %dma_wait3A_87] : memref<4096x512xi32, #tpu.memory_space<hbm>> -> memref<64x512xi32, #tpu.memory_space<hbm>>
    tpu.wait_dma2 semaphore(%arg14 : memref<!tpu.dma_semaphore, #tpu.memory_space<semaphore_mem>>) src(%arg9 : memref<64x512xi32, #tpu.memory_space<vmem>>) dst(%dma_wait3A_88 : memref<64x512xi32, #tpu.memory_space<hbm>>)
    return
  }
}

#map = affine_map<(d0, d1) -> (0, 0)>
#map1 = affine_map<(d0, d1) -> (0)>
module attributes {stable_mosaic.version = 14 : i64} {
  func.func @_sc_dispatch_body(%arg0: i32, %arg1: i32, %arg2: memref<4096x512xi32, #tpu.memory_space<hbm>>, %arg3: memref<4096xi32, #tpu.memory_space<hbm>>, %arg4: memref<4096xi32, #tpu.memory_space<hbm>>, %arg5: memref<12288x512xi32, #tpu.memory_space<hbm>>, %arg6: memref<64xi32, #tpu.memory_space<vmem>>, %arg7: memref<64xi32, #tpu.memory_space<vmem>>, %arg8: memref<64x512xi32, #tpu.memory_space<vmem>>, %arg9: memref<64x512xi32, #tpu.memory_space<vmem>>, %arg10: memref<!tpu.dma_semaphore, #tpu.memory_space<semaphore_mem>>, %arg11: memref<!tpu.dma_semaphore, #tpu.memory_space<semaphore_mem>>, %arg12: memref<!tpu.dma_semaphore, #tpu.memory_space<semaphore_mem>>, %arg13: memref<!tpu.dma_semaphore, #tpu.memory_space<semaphore_mem>>) attributes {dimension_semantics = [#tpu.dimension_semantics<core_parallel>, #tpu.dimension_semantics<subcore_parallel>], iteration_bounds = array<i64: 2, 16>, scalar_prefetch = 0 : i64, scratch_operands = 8 : i64, tpu.core_type = #tpu.core_type<sc_vector_subcore>, window_params = [{transform_indices = #map}, {transform_indices = #map1}, {transform_indices = #map1}, {transform_indices = #map}]} {
    %mul3A = arith.constant 2 : i32
    %mul3A_0 = arith.muli %arg1, %mul3A : i32
    %add3A = arith.addi %mul3A_0, %arg0 : i32
    %mul3A_1 = arith.constant 128 : i32
    %mul3A_2 = arith.muli %add3A, %mul3A_1 : i32
    %add3A_3 = arith.constant 0 : i32
    %add3A_4 = arith.addi %mul3A_2, %add3A_3 : i32
    %dma_start3A = arith.constant 0 : i32
    %dma_start3A_5 = tpu.memref_slice %arg2[%add3A_4, %dma_start3A] : memref<4096x512xi32, #tpu.memory_space<hbm>> -> memref<64x512xi32, #tpu.memory_space<hbm>>
    %dma_start3A_6 = arith.constant 0 : i32
    %dma_start3A_7 = tpu.memref_slice %arg2[%add3A_4, %dma_start3A_6] : memref<4096x512xi32, #tpu.memory_space<hbm>> -> memref<64x512xi32, #tpu.memory_space<hbm>>
    tpu.enqueue_dma source(%dma_start3A_7 : memref<64x512xi32, #tpu.memory_space<hbm>>) target(%arg8 : memref<64x512xi32, #tpu.memory_space<vmem>>) target_semaphore(%arg10 : memref<!tpu.dma_semaphore, #tpu.memory_space<semaphore_mem>>)
    %dma_start3A_8 = tpu.memref_slice %arg3[%add3A_4] : memref<4096xi32, #tpu.memory_space<hbm>> -> memref<64xi32, #tpu.memory_space<hbm>>
    %dma_start3A_9 = tpu.memref_slice %arg3[%add3A_4] : memref<4096xi32, #tpu.memory_space<hbm>> -> memref<64xi32, #tpu.memory_space<hbm>>
    tpu.enqueue_dma source(%dma_start3A_9 : memref<64xi32, #tpu.memory_space<hbm>>) target(%arg6 : memref<64xi32, #tpu.memory_space<vmem>>) target_semaphore(%arg10 : memref<!tpu.dma_semaphore, #tpu.memory_space<semaphore_mem>>)
    %dma_wait3A = arith.constant 0 : i32
    %dma_wait3A_10 = tpu.memref_slice %arg2[%add3A_4, %dma_wait3A] : memref<4096x512xi32, #tpu.memory_space<hbm>> -> memref<64x512xi32, #tpu.memory_space<hbm>>
    %dma_wait3A_11 = arith.constant 0 : i32
    %dma_wait3A_12 = tpu.memref_slice %arg2[%add3A_4, %dma_wait3A_11] : memref<4096x512xi32, #tpu.memory_space<hbm>> -> memref<64x512xi32, #tpu.memory_space<hbm>>
    tpu.wait_dma2 semaphore(%arg10 : memref<!tpu.dma_semaphore, #tpu.memory_space<semaphore_mem>>) src(%dma_wait3A_12 : memref<64x512xi32, #tpu.memory_space<hbm>>) dst(%arg8 : memref<64x512xi32, #tpu.memory_space<vmem>>)
    %dma_wait3A_13 = tpu.memref_slice %arg3[%add3A_4] : memref<4096xi32, #tpu.memory_space<hbm>> -> memref<64xi32, #tpu.memory_space<hbm>>
    %dma_wait3A_14 = tpu.memref_slice %arg3[%add3A_4] : memref<4096xi32, #tpu.memory_space<hbm>> -> memref<64xi32, #tpu.memory_space<hbm>>
    tpu.wait_dma2 semaphore(%arg10 : memref<!tpu.dma_semaphore, #tpu.memory_space<semaphore_mem>>) src(%dma_wait3A_14 : memref<64xi32, #tpu.memory_space<hbm>>) dst(%arg6 : memref<64xi32, #tpu.memory_space<vmem>>)
    %dma_start3A_15 = arith.constant 0 : i32
    %dma_start3A_16 = arith.constant 0 : i32
    %dma_start3A_17 = tpu.memref_slice %arg5[%dma_start3A_15, %dma_start3A_16] : memref<12288x512xi32, #tpu.memory_space<hbm>> -> memref<12288x512xi32, #tpu.memory_space<hbm>>
    tpu.enqueue_indirect_dma source(%arg8 : memref<64x512xi32, #tpu.memory_space<vmem>>) target(%dma_start3A_17 : memref<12288x512xi32, #tpu.memory_space<hbm>>) offsets(%arg6 : memref<64xi32, #tpu.memory_space<vmem>>) semaphore(%arg12 : memref<!tpu.dma_semaphore, #tpu.memory_space<semaphore_mem>>)
    %add3A_18 = arith.constant 64 : i32
    %add3A_19 = arith.addi %mul3A_2, %add3A_18 : i32
    %dma_start3A_20 = arith.constant 0 : i32
    %dma_start3A_21 = tpu.memref_slice %arg2[%add3A_19, %dma_start3A_20] : memref<4096x512xi32, #tpu.memory_space<hbm>> -> memref<64x512xi32, #tpu.memory_space<hbm>>
    %dma_start3A_22 = arith.constant 0 : i32
    %dma_start3A_23 = tpu.memref_slice %arg2[%add3A_19, %dma_start3A_22] : memref<4096x512xi32, #tpu.memory_space<hbm>> -> memref<64x512xi32, #tpu.memory_space<hbm>>
    tpu.enqueue_dma source(%dma_start3A_23 : memref<64x512xi32, #tpu.memory_space<hbm>>) target(%arg9 : memref<64x512xi32, #tpu.memory_space<vmem>>) target_semaphore(%arg11 : memref<!tpu.dma_semaphore, #tpu.memory_space<semaphore_mem>>)
    %dma_start3A_24 = tpu.memref_slice %arg3[%add3A_19] : memref<4096xi32, #tpu.memory_space<hbm>> -> memref<64xi32, #tpu.memory_space<hbm>>
    %dma_start3A_25 = tpu.memref_slice %arg3[%add3A_19] : memref<4096xi32, #tpu.memory_space<hbm>> -> memref<64xi32, #tpu.memory_space<hbm>>
    tpu.enqueue_dma source(%dma_start3A_25 : memref<64xi32, #tpu.memory_space<hbm>>) target(%arg7 : memref<64xi32, #tpu.memory_space<vmem>>) target_semaphore(%arg11 : memref<!tpu.dma_semaphore, #tpu.memory_space<semaphore_mem>>)
    %dma_wait3A_26 = arith.constant 0 : i32
    %dma_wait3A_27 = tpu.memref_slice %arg2[%add3A_19, %dma_wait3A_26] : memref<4096x512xi32, #tpu.memory_space<hbm>> -> memref<64x512xi32, #tpu.memory_space<hbm>>
    %dma_wait3A_28 = arith.constant 0 : i32
    %dma_wait3A_29 = tpu.memref_slice %arg2[%add3A_19, %dma_wait3A_28] : memref<4096x512xi32, #tpu.memory_space<hbm>> -> memref<64x512xi32, #tpu.memory_space<hbm>>
    tpu.wait_dma2 semaphore(%arg11 : memref<!tpu.dma_semaphore, #tpu.memory_space<semaphore_mem>>) src(%dma_wait3A_29 : memref<64x512xi32, #tpu.memory_space<hbm>>) dst(%arg9 : memref<64x512xi32, #tpu.memory_space<vmem>>)
    %dma_wait3A_30 = tpu.memref_slice %arg3[%add3A_19] : memref<4096xi32, #tpu.memory_space<hbm>> -> memref<64xi32, #tpu.memory_space<hbm>>
    %dma_wait3A_31 = tpu.memref_slice %arg3[%add3A_19] : memref<4096xi32, #tpu.memory_space<hbm>> -> memref<64xi32, #tpu.memory_space<hbm>>
    tpu.wait_dma2 semaphore(%arg11 : memref<!tpu.dma_semaphore, #tpu.memory_space<semaphore_mem>>) src(%dma_wait3A_31 : memref<64xi32, #tpu.memory_space<hbm>>) dst(%arg7 : memref<64xi32, #tpu.memory_space<vmem>>)
    %dma_start3A_32 = arith.constant 0 : i32
    %dma_start3A_33 = arith.constant 0 : i32
    %dma_start3A_34 = tpu.memref_slice %arg5[%dma_start3A_32, %dma_start3A_33] : memref<12288x512xi32, #tpu.memory_space<hbm>> -> memref<12288x512xi32, #tpu.memory_space<hbm>>
    tpu.enqueue_indirect_dma source(%arg9 : memref<64x512xi32, #tpu.memory_space<vmem>>) target(%dma_start3A_34 : memref<12288x512xi32, #tpu.memory_space<hbm>>) offsets(%arg7 : memref<64xi32, #tpu.memory_space<vmem>>) semaphore(%arg13 : memref<!tpu.dma_semaphore, #tpu.memory_space<semaphore_mem>>)
    %dma_wait3A_35 = arith.constant 0 : i32
    %dma_wait3A_36 = arith.constant 0 : i32
    %dma_wait3A_37 = tpu.memref_slice %arg5[%dma_wait3A_35, %dma_wait3A_36] : memref<12288x512xi32, #tpu.memory_space<hbm>> -> memref<12288x512xi32, #tpu.memory_space<hbm>>
    tpu.wait_indirect_dma semaphore(%arg12 : memref<!tpu.dma_semaphore, #tpu.memory_space<semaphore_mem>>) src(%arg8 : memref<64x512xi32, #tpu.memory_space<vmem>>) dst(%dma_wait3A_37 : memref<12288x512xi32, #tpu.memory_space<hbm>>)
    %add3A_38 = arith.constant 0 : i32
    %add3A_39 = arith.addi %mul3A_2, %add3A_38 : i32
    %dma_start3A_40 = arith.constant 0 : i32
    %dma_start3A_41 = tpu.memref_slice %arg2[%add3A_39, %dma_start3A_40] : memref<4096x512xi32, #tpu.memory_space<hbm>> -> memref<64x512xi32, #tpu.memory_space<hbm>>
    %dma_start3A_42 = arith.constant 0 : i32
    %dma_start3A_43 = tpu.memref_slice %arg2[%add3A_39, %dma_start3A_42] : memref<4096x512xi32, #tpu.memory_space<hbm>> -> memref<64x512xi32, #tpu.memory_space<hbm>>
    tpu.enqueue_dma source(%dma_start3A_43 : memref<64x512xi32, #tpu.memory_space<hbm>>) target(%arg8 : memref<64x512xi32, #tpu.memory_space<vmem>>) target_semaphore(%arg10 : memref<!tpu.dma_semaphore, #tpu.memory_space<semaphore_mem>>)
    %dma_start3A_44 = tpu.memref_slice %arg4[%add3A_39] : memref<4096xi32, #tpu.memory_space<hbm>> -> memref<64xi32, #tpu.memory_space<hbm>>
    %dma_start3A_45 = tpu.memref_slice %arg4[%add3A_39] : memref<4096xi32, #tpu.memory_space<hbm>> -> memref<64xi32, #tpu.memory_space<hbm>>
    tpu.enqueue_dma source(%dma_start3A_45 : memref<64xi32, #tpu.memory_space<hbm>>) target(%arg6 : memref<64xi32, #tpu.memory_space<vmem>>) target_semaphore(%arg10 : memref<!tpu.dma_semaphore, #tpu.memory_space<semaphore_mem>>)
    %dma_wait3A_46 = arith.constant 0 : i32
    %dma_wait3A_47 = tpu.memref_slice %arg2[%add3A_39, %dma_wait3A_46] : memref<4096x512xi32, #tpu.memory_space<hbm>> -> memref<64x512xi32, #tpu.memory_space<hbm>>
    %dma_wait3A_48 = arith.constant 0 : i32
    %dma_wait3A_49 = tpu.memref_slice %arg2[%add3A_39, %dma_wait3A_48] : memref<4096x512xi32, #tpu.memory_space<hbm>> -> memref<64x512xi32, #tpu.memory_space<hbm>>
    tpu.wait_dma2 semaphore(%arg10 : memref<!tpu.dma_semaphore, #tpu.memory_space<semaphore_mem>>) src(%dma_wait3A_49 : memref<64x512xi32, #tpu.memory_space<hbm>>) dst(%arg8 : memref<64x512xi32, #tpu.memory_space<vmem>>)
    %dma_wait3A_50 = tpu.memref_slice %arg4[%add3A_39] : memref<4096xi32, #tpu.memory_space<hbm>> -> memref<64xi32, #tpu.memory_space<hbm>>
    %dma_wait3A_51 = tpu.memref_slice %arg4[%add3A_39] : memref<4096xi32, #tpu.memory_space<hbm>> -> memref<64xi32, #tpu.memory_space<hbm>>
    tpu.wait_dma2 semaphore(%arg10 : memref<!tpu.dma_semaphore, #tpu.memory_space<semaphore_mem>>) src(%dma_wait3A_51 : memref<64xi32, #tpu.memory_space<hbm>>) dst(%arg6 : memref<64xi32, #tpu.memory_space<vmem>>)
    %dma_start3A_52 = arith.constant 0 : i32
    %dma_start3A_53 = arith.constant 0 : i32
    %dma_start3A_54 = tpu.memref_slice %arg5[%dma_start3A_52, %dma_start3A_53] : memref<12288x512xi32, #tpu.memory_space<hbm>> -> memref<12288x512xi32, #tpu.memory_space<hbm>>
    tpu.enqueue_indirect_dma source(%arg8 : memref<64x512xi32, #tpu.memory_space<vmem>>) target(%dma_start3A_54 : memref<12288x512xi32, #tpu.memory_space<hbm>>) offsets(%arg6 : memref<64xi32, #tpu.memory_space<vmem>>) semaphore(%arg12 : memref<!tpu.dma_semaphore, #tpu.memory_space<semaphore_mem>>)
    %dma_wait3A_55 = arith.constant 0 : i32
    %dma_wait3A_56 = arith.constant 0 : i32
    %dma_wait3A_57 = tpu.memref_slice %arg5[%dma_wait3A_55, %dma_wait3A_56] : memref<12288x512xi32, #tpu.memory_space<hbm>> -> memref<12288x512xi32, #tpu.memory_space<hbm>>
    tpu.wait_indirect_dma semaphore(%arg13 : memref<!tpu.dma_semaphore, #tpu.memory_space<semaphore_mem>>) src(%arg9 : memref<64x512xi32, #tpu.memory_space<vmem>>) dst(%dma_wait3A_57 : memref<12288x512xi32, #tpu.memory_space<hbm>>)
    %add3A_58 = arith.constant 64 : i32
    %add3A_59 = arith.addi %mul3A_2, %add3A_58 : i32
    %dma_start3A_60 = arith.constant 0 : i32
    %dma_start3A_61 = tpu.memref_slice %arg2[%add3A_59, %dma_start3A_60] : memref<4096x512xi32, #tpu.memory_space<hbm>> -> memref<64x512xi32, #tpu.memory_space<hbm>>
    %dma_start3A_62 = arith.constant 0 : i32
    %dma_start3A_63 = tpu.memref_slice %arg2[%add3A_59, %dma_start3A_62] : memref<4096x512xi32, #tpu.memory_space<hbm>> -> memref<64x512xi32, #tpu.memory_space<hbm>>
    tpu.enqueue_dma source(%dma_start3A_63 : memref<64x512xi32, #tpu.memory_space<hbm>>) target(%arg9 : memref<64x512xi32, #tpu.memory_space<vmem>>) target_semaphore(%arg11 : memref<!tpu.dma_semaphore, #tpu.memory_space<semaphore_mem>>)
    %dma_start3A_64 = tpu.memref_slice %arg4[%add3A_59] : memref<4096xi32, #tpu.memory_space<hbm>> -> memref<64xi32, #tpu.memory_space<hbm>>
    %dma_start3A_65 = tpu.memref_slice %arg4[%add3A_59] : memref<4096xi32, #tpu.memory_space<hbm>> -> memref<64xi32, #tpu.memory_space<hbm>>
    tpu.enqueue_dma source(%dma_start3A_65 : memref<64xi32, #tpu.memory_space<hbm>>) target(%arg7 : memref<64xi32, #tpu.memory_space<vmem>>) target_semaphore(%arg11 : memref<!tpu.dma_semaphore, #tpu.memory_space<semaphore_mem>>)
    %dma_wait3A_66 = arith.constant 0 : i32
    %dma_wait3A_67 = tpu.memref_slice %arg2[%add3A_59, %dma_wait3A_66] : memref<4096x512xi32, #tpu.memory_space<hbm>> -> memref<64x512xi32, #tpu.memory_space<hbm>>
    %dma_wait3A_68 = arith.constant 0 : i32
    %dma_wait3A_69 = tpu.memref_slice %arg2[%add3A_59, %dma_wait3A_68] : memref<4096x512xi32, #tpu.memory_space<hbm>> -> memref<64x512xi32, #tpu.memory_space<hbm>>
    tpu.wait_dma2 semaphore(%arg11 : memref<!tpu.dma_semaphore, #tpu.memory_space<semaphore_mem>>) src(%dma_wait3A_69 : memref<64x512xi32, #tpu.memory_space<hbm>>) dst(%arg9 : memref<64x512xi32, #tpu.memory_space<vmem>>)
    %dma_wait3A_70 = tpu.memref_slice %arg4[%add3A_59] : memref<4096xi32, #tpu.memory_space<hbm>> -> memref<64xi32, #tpu.memory_space<hbm>>
    %dma_wait3A_71 = tpu.memref_slice %arg4[%add3A_59] : memref<4096xi32, #tpu.memory_space<hbm>> -> memref<64xi32, #tpu.memory_space<hbm>>
    tpu.wait_dma2 semaphore(%arg11 : memref<!tpu.dma_semaphore, #tpu.memory_space<semaphore_mem>>) src(%dma_wait3A_71 : memref<64xi32, #tpu.memory_space<hbm>>) dst(%arg7 : memref<64xi32, #tpu.memory_space<vmem>>)
    %dma_start3A_72 = arith.constant 0 : i32
    %dma_start3A_73 = arith.constant 0 : i32
    %dma_start3A_74 = tpu.memref_slice %arg5[%dma_start3A_72, %dma_start3A_73] : memref<12288x512xi32, #tpu.memory_space<hbm>> -> memref<12288x512xi32, #tpu.memory_space<hbm>>
    tpu.enqueue_indirect_dma source(%arg9 : memref<64x512xi32, #tpu.memory_space<vmem>>) target(%dma_start3A_74 : memref<12288x512xi32, #tpu.memory_space<hbm>>) offsets(%arg7 : memref<64xi32, #tpu.memory_space<vmem>>) semaphore(%arg13 : memref<!tpu.dma_semaphore, #tpu.memory_space<semaphore_mem>>)
    %dma_wait3A_75 = arith.constant 0 : i32
    %dma_wait3A_76 = arith.constant 0 : i32
    %dma_wait3A_77 = tpu.memref_slice %arg5[%dma_wait3A_75, %dma_wait3A_76] : memref<12288x512xi32, #tpu.memory_space<hbm>> -> memref<12288x512xi32, #tpu.memory_space<hbm>>
    tpu.wait_indirect_dma semaphore(%arg13 : memref<!tpu.dma_semaphore, #tpu.memory_space<semaphore_mem>>) src(%arg9 : memref<64x512xi32, #tpu.memory_space<vmem>>) dst(%dma_wait3A_77 : memref<12288x512xi32, #tpu.memory_space<hbm>>)
    %dma_wait3A_78 = arith.constant 0 : i32
    %dma_wait3A_79 = arith.constant 0 : i32
    %dma_wait3A_80 = tpu.memref_slice %arg5[%dma_wait3A_78, %dma_wait3A_79] : memref<12288x512xi32, #tpu.memory_space<hbm>> -> memref<12288x512xi32, #tpu.memory_space<hbm>>
    tpu.wait_indirect_dma semaphore(%arg12 : memref<!tpu.dma_semaphore, #tpu.memory_space<semaphore_mem>>) src(%arg8 : memref<64x512xi32, #tpu.memory_space<vmem>>) dst(%dma_wait3A_80 : memref<12288x512xi32, #tpu.memory_space<hbm>>)
    return
  }
}

module attributes {stable_mosaic.version = 14 : i64} {
  func.func @_tables_body(%arg0: i32, %arg1: memref<32x128xi32, #tpu.memory_space<vmem>>, %arg2: memref<32x128xi32, #tpu.memory_space<vmem>>, %arg3: memref<32x128xi32, #tpu.memory_space<vmem>>, %arg4: memref<32x128xi32, #tpu.memory_space<vmem>>, %arg5: memref<8x128xi32, #tpu.memory_space<vmem>>) attributes {dimension_semantics = [#tpu.dimension_semantics<arbitrary>], iteration_bounds = array<i64: 1>, scalar_prefetch = 0 : i64, scratch_operands = 0 : i64, tpu.core_type = #tpu.core_type<tc>, window_params = [{pipeline_mode = #tpu.pipeline_mode<synchronous>, transform_indices = @transform_0, window_bounds = array<i64: 32, 128>}, {pipeline_mode = #tpu.pipeline_mode<synchronous>, transform_indices = @transform_1, window_bounds = array<i64: 32, 128>}, {pipeline_mode = #tpu.pipeline_mode<synchronous>, transform_indices = @transform_2, window_bounds = array<i64: 32, 128>}, {pipeline_mode = #tpu.pipeline_mode<synchronous>, transform_indices = @transform_3, window_bounds = array<i64: 32, 128>}, {pipeline_mode = #tpu.pipeline_mode<synchronous>, transform_indices = @transform_4, window_bounds = array<i64: 8, 128>}]} {
    %get3A = arith.constant 0 : index
    %get3A_0 = arith.constant 0 : index
    %get3A_1 = vector.load %arg1[%get3A, %get3A_0] : memref<32x128xi32, #tpu.memory_space<vmem>>, vector<32x128xi32>
    %get3A_2 = arith.constant 0 : index
    %get3A_3 = arith.constant 0 : index
    %get3A_4 = vector.load %arg2[%get3A_2, %get3A_3] : memref<32x128xi32, #tpu.memory_space<vmem>>, vector<32x128xi32>
    %iota3A = tpu.iota {dimensions = array<i32: 0>} : vector<128x128xi32>
    %iota3A_5 = tpu.iota {dimensions = array<i32: 1>} : vector<128x128xi32>
    %lt3A = arith.cmpi slt, %iota3A, %iota3A_5 : vector<128x128xi32>
    %convert_element_type3A = arith.extui %lt3A : vector<128x128xi1> to vector<128x128xi32>
    %convert_element_type3A_6 = arith.sitofp %convert_element_type3A : vector<128x128xi32> to vector<128x128xf32>
    %iota3A_7 = tpu.iota {dimensions = array<i32: 0>} : vector<32x32xi32>
    %iota3A_8 = tpu.iota {dimensions = array<i32: 1>} : vector<32x32xi32>
    %lt3A_9 = arith.cmpi slt, %iota3A_8, %iota3A_7 : vector<32x32xi32>
    %convert_element_type3A_10 = arith.extui %lt3A_9 : vector<32x32xi1> to vector<32x32xi32>
    %convert_element_type3A_11 = arith.sitofp %convert_element_type3A_10 : vector<32x32xi32> to vector<32x32xf32>
    %eq3A = arith.constant 0 : i32
    %eq3A_12 = vector.broadcast %eq3A : i32 to vector<32x128xi32>
    %eq3A_13 = arith.cmpi eq, %get3A_1, %eq3A_12 : vector<32x128xi32>
    %convert_element_type3A_14 = arith.extui %eq3A_13 : vector<32x128xi1> to vector<32x128xi32>
    %convert_element_type3A_15 = arith.sitofp %convert_element_type3A_14 : vector<32x128xi32> to vector<32x128xf32>
    %eq3A_16 = arith.constant 0 : i32
    %eq3A_17 = vector.broadcast %eq3A_16 : i32 to vector<32x128xi32>
    %eq3A_18 = arith.cmpi eq, %get3A_4, %eq3A_17 : vector<32x128xi32>
    %convert_element_type3A_19 = arith.extui %eq3A_18 : vector<32x128xi1> to vector<32x128xi32>
    %convert_element_type3A_20 = arith.sitofp %convert_element_type3A_19 : vector<32x128xi32> to vector<32x128xf32>
    %dot_general3A = arith.constant dense<0.000000e+00> : vector<32x128xf32>
    %dot_general3A_21 = tpu.matmul %convert_element_type3A_15, %convert_element_type3A_6, %dot_general3A {dimension_numbers = #tpu.dot_dimension_numbers<[1], [0], [0], [1], [0, 0, 1, 1], [], []>, transpose_lhs_hint = false} : vector<32x128xf32>, vector<128x128xf32>, vector<32x128xf32> -> vector<32x128xf32>
    %dot_general3A_22 = arith.constant dense<0.000000e+00> : vector<32x128xf32>
    %dot_general3A_23 = tpu.matmul %convert_element_type3A_20, %convert_element_type3A_6, %dot_general3A_22 {dimension_numbers = #tpu.dot_dimension_numbers<[1], [0], [0], [1], [0, 0, 1, 1], [], []>, transpose_lhs_hint = false} : vector<32x128xf32>, vector<128x128xf32>, vector<32x128xf32> -> vector<32x128xf32>
    %reduce_sum3A = arith.constant dense<0.000000e+00> : vector<32xf32>
    %reduce_sum3A_24 = vector.multi_reduction <add>, %convert_element_type3A_15, %reduce_sum3A [1] : vector<32x128xf32> to vector<32xf32>
    %broadcast_in_dim3A = vector.shape_cast %reduce_sum3A_24 : vector<32xf32> to vector<32x1xf32>
    %reduce_sum3A_25 = arith.constant dense<0.000000e+00> : vector<32xf32>
    %reduce_sum3A_26 = vector.multi_reduction <add>, %convert_element_type3A_20, %reduce_sum3A_25 [1] : vector<32x128xf32> to vector<32xf32>
    %broadcast_in_dim3A_27 = vector.shape_cast %reduce_sum3A_26 : vector<32xf32> to vector<32x1xf32>
    %dot_general3A_28 = arith.constant dense<0.000000e+00> : vector<32x1xf32>
    %dot_general3A_29 = tpu.matmul %convert_element_type3A_11, %broadcast_in_dim3A, %dot_general3A_28 {dimension_numbers = #tpu.dot_dimension_numbers<[1], [0], [0], [1], [0, 0, 1, 1], [], []>, transpose_lhs_hint = false} : vector<32x32xf32>, vector<32x1xf32>, vector<32x1xf32> -> vector<32x1xf32>
    %dot_general3A_30 = arith.constant dense<0.000000e+00> : vector<32x1xf32>
    %dot_general3A_31 = tpu.matmul %convert_element_type3A_11, %broadcast_in_dim3A_27, %dot_general3A_30 {dimension_numbers = #tpu.dot_dimension_numbers<[1], [0], [0], [1], [0, 0, 1, 1], [], []>, transpose_lhs_hint = false} : vector<32x32xf32>, vector<32x1xf32>, vector<32x1xf32> -> vector<32x1xf32>
    %reduce_sum3A_32 = vector.shape_cast %broadcast_in_dim3A : vector<32x1xf32> to vector<1x32x1xf32>
    %reduce_sum3A_33 = arith.constant dense<0.000000e+00> : vector<1xf32>
    %reduce_sum3A_34 = vector.multi_reduction <add>, %reduce_sum3A_32, %reduce_sum3A_33 [1, 2] : vector<1x32x1xf32> to vector<1xf32>
    %reduce_sum3A_35 = vector.shape_cast %reduce_sum3A_34 : vector<1xf32> to vector<1x1x1xf32>
    %reduce_sum3A_36 = vector.extract %reduce_sum3A_35[0, 0, 0] : f32 from vector<1x1x1xf32>
    %add3A = vector.broadcast %dot_general3A_29 : vector<32x1xf32> to vector<32x128xf32>
    %add3A_37 = arith.addf %dot_general3A_21, %add3A : vector<32x128xf32>
    %add3A_38 = vector.broadcast %reduce_sum3A_36 : f32 to vector<32x128xf32>
    %add3A_39 = arith.addf %add3A_38, %dot_general3A_23 : vector<32x128xf32>
    %add3A_40 = vector.broadcast %dot_general3A_31 : vector<32x1xf32> to vector<32x128xf32>
    %add3A_41 = arith.addf %add3A_39, %add3A_40 : vector<32x128xf32>
    %reduce_sum3A_42 = vector.shape_cast %broadcast_in_dim3A_27 : vector<32x1xf32> to vector<1x32x1xf32>
    %reduce_sum3A_43 = arith.constant dense<0.000000e+00> : vector<1xf32>
    %reduce_sum3A_44 = vector.multi_reduction <add>, %reduce_sum3A_42, %reduce_sum3A_43 [1, 2] : vector<1x32x1xf32> to vector<1xf32>
    %reduce_sum3A_45 = vector.shape_cast %reduce_sum3A_44 : vector<1xf32> to vector<1x1x1xf32>
    %reduce_sum3A_46 = vector.extract %reduce_sum3A_45[0, 0, 0] : f32 from vector<1x1x1xf32>
    %add3A_47 = arith.addf %reduce_sum3A_36, %reduce_sum3A_46 : f32
    %eq3A_48 = arith.constant 1 : i32
    %eq3A_49 = vector.broadcast %eq3A_48 : i32 to vector<32x128xi32>
    %eq3A_50 = arith.cmpi eq, %get3A_1, %eq3A_49 : vector<32x128xi32>
    %convert_element_type3A_51 = arith.extui %eq3A_50 : vector<32x128xi1> to vector<32x128xi32>
    %convert_element_type3A_52 = arith.sitofp %convert_element_type3A_51 : vector<32x128xi32> to vector<32x128xf32>
    %eq3A_53 = arith.constant 1 : i32
    %eq3A_54 = vector.broadcast %eq3A_53 : i32 to vector<32x128xi32>
    %eq3A_55 = arith.cmpi eq, %get3A_4, %eq3A_54 : vector<32x128xi32>
    %convert_element_type3A_56 = arith.extui %eq3A_55 : vector<32x128xi1> to vector<32x128xi32>
    %convert_element_type3A_57 = arith.sitofp %convert_element_type3A_56 : vector<32x128xi32> to vector<32x128xf32>
    %dot_general3A_58 = arith.constant dense<0.000000e+00> : vector<32x128xf32>
    %dot_general3A_59 = tpu.matmul %convert_element_type3A_52, %convert_element_type3A_6, %dot_general3A_58 {dimension_numbers = #tpu.dot_dimension_numbers<[1], [0], [0], [1], [0, 0, 1, 1], [], []>, transpose_lhs_hint = false} : vector<32x128xf32>, vector<128x128xf32>, vector<32x128xf32> -> vector<32x128xf32>
    %dot_general3A_60 = arith.constant dense<0.000000e+00> : vector<32x128xf32>
    %dot_general3A_61 = tpu.matmul %convert_element_type3A_57, %convert_element_type3A_6, %dot_general3A_60 {dimension_numbers = #tpu.dot_dimension_numbers<[1], [0], [0], [1], [0, 0, 1, 1], [], []>, transpose_lhs_hint = false} : vector<32x128xf32>, vector<128x128xf32>, vector<32x128xf32> -> vector<32x128xf32>
    %reduce_sum3A_62 = arith.constant dense<0.000000e+00> : vector<32xf32>
    %reduce_sum3A_63 = vector.multi_reduction <add>, %convert_element_type3A_52, %reduce_sum3A_62 [1] : vector<32x128xf32> to vector<32xf32>
    %broadcast_in_dim3A_64 = vector.shape_cast %reduce_sum3A_63 : vector<32xf32> to vector<32x1xf32>
    %reduce_sum3A_65 = arith.constant dense<0.000000e+00> : vector<32xf32>
    %reduce_sum3A_66 = vector.multi_reduction <add>, %convert_element_type3A_57, %reduce_sum3A_65 [1] : vector<32x128xf32> to vector<32xf32>
    %broadcast_in_dim3A_67 = vector.shape_cast %reduce_sum3A_66 : vector<32xf32> to vector<32x1xf32>
    %dot_general3A_68 = arith.constant dense<0.000000e+00> : vector<32x1xf32>
    %dot_general3A_69 = tpu.matmul %convert_element_type3A_11, %broadcast_in_dim3A_64, %dot_general3A_68 {dimension_numbers = #tpu.dot_dimension_numbers<[1], [0], [0], [1], [0, 0, 1, 1], [], []>, transpose_lhs_hint = false} : vector<32x32xf32>, vector<32x1xf32>, vector<32x1xf32> -> vector<32x1xf32>
    %dot_general3A_70 = arith.constant dense<0.000000e+00> : vector<32x1xf32>
    %dot_general3A_71 = tpu.matmul %convert_element_type3A_11, %broadcast_in_dim3A_67, %dot_general3A_70 {dimension_numbers = #tpu.dot_dimension_numbers<[1], [0], [0], [1], [0, 0, 1, 1], [], []>, transpose_lhs_hint = false} : vector<32x32xf32>, vector<32x1xf32>, vector<32x1xf32> -> vector<32x1xf32>
    %reduce_sum3A_72 = vector.shape_cast %broadcast_in_dim3A_64 : vector<32x1xf32> to vector<1x32x1xf32>
    %reduce_sum3A_73 = arith.constant dense<0.000000e+00> : vector<1xf32>
    %reduce_sum3A_74 = vector.multi_reduction <add>, %reduce_sum3A_72, %reduce_sum3A_73 [1, 2] : vector<1x32x1xf32> to vector<1xf32>
    %reduce_sum3A_75 = vector.shape_cast %reduce_sum3A_74 : vector<1xf32> to vector<1x1x1xf32>
    %reduce_sum3A_76 = vector.extract %reduce_sum3A_75[0, 0, 0] : f32 from vector<1x1x1xf32>
    %add3A_77 = vector.broadcast %dot_general3A_69 : vector<32x1xf32> to vector<32x128xf32>
    %add3A_78 = arith.addf %dot_general3A_59, %add3A_77 : vector<32x128xf32>
    %add3A_79 = vector.broadcast %reduce_sum3A_76 : f32 to vector<32x128xf32>
    %add3A_80 = arith.addf %add3A_79, %dot_general3A_61 : vector<32x128xf32>
    %add3A_81 = vector.broadcast %dot_general3A_71 : vector<32x1xf32> to vector<32x128xf32>
    %add3A_82 = arith.addf %add3A_80, %add3A_81 : vector<32x128xf32>
    %reduce_sum3A_83 = vector.shape_cast %broadcast_in_dim3A_67 : vector<32x1xf32> to vector<1x32x1xf32>
    %reduce_sum3A_84 = arith.constant dense<0.000000e+00> : vector<1xf32>
    %reduce_sum3A_85 = vector.multi_reduction <add>, %reduce_sum3A_83, %reduce_sum3A_84 [1, 2] : vector<1x32x1xf32> to vector<1xf32>
    %reduce_sum3A_86 = vector.shape_cast %reduce_sum3A_85 : vector<1xf32> to vector<1x1x1xf32>
    %reduce_sum3A_87 = vector.extract %reduce_sum3A_86[0, 0, 0] : f32 from vector<1x1x1xf32>
    %add3A_88 = arith.addf %reduce_sum3A_76, %reduce_sum3A_87 : f32
    %eq3A_89 = arith.constant 2 : i32
    %eq3A_90 = vector.broadcast %eq3A_89 : i32 to vector<32x128xi32>
    %eq3A_91 = arith.cmpi eq, %get3A_1, %eq3A_90 : vector<32x128xi32>
    %convert_element_type3A_92 = arith.extui %eq3A_91 : vector<32x128xi1> to vector<32x128xi32>
    %convert_element_type3A_93 = arith.sitofp %convert_element_type3A_92 : vector<32x128xi32> to vector<32x128xf32>
    %eq3A_94 = arith.constant 2 : i32
    %eq3A_95 = vector.broadcast %eq3A_94 : i32 to vector<32x128xi32>
    %eq3A_96 = arith.cmpi eq, %get3A_4, %eq3A_95 : vector<32x128xi32>
    %convert_element_type3A_97 = arith.extui %eq3A_96 : vector<32x128xi1> to vector<32x128xi32>
    %convert_element_type3A_98 = arith.sitofp %convert_element_type3A_97 : vector<32x128xi32> to vector<32x128xf32>
    %dot_general3A_99 = arith.constant dense<0.000000e+00> : vector<32x128xf32>
    %dot_general3A_100 = tpu.matmul %convert_element_type3A_93, %convert_element_type3A_6, %dot_general3A_99 {dimension_numbers = #tpu.dot_dimension_numbers<[1], [0], [0], [1], [0, 0, 1, 1], [], []>, transpose_lhs_hint = false} : vector<32x128xf32>, vector<128x128xf32>, vector<32x128xf32> -> vector<32x128xf32>
    %dot_general3A_101 = arith.constant dense<0.000000e+00> : vector<32x128xf32>
    %dot_general3A_102 = tpu.matmul %convert_element_type3A_98, %convert_element_type3A_6, %dot_general3A_101 {dimension_numbers = #tpu.dot_dimension_numbers<[1], [0], [0], [1], [0, 0, 1, 1], [], []>, transpose_lhs_hint = false} : vector<32x128xf32>, vector<128x128xf32>, vector<32x128xf32> -> vector<32x128xf32>
    %reduce_sum3A_103 = arith.constant dense<0.000000e+00> : vector<32xf32>
    %reduce_sum3A_104 = vector.multi_reduction <add>, %convert_element_type3A_93, %reduce_sum3A_103 [1] : vector<32x128xf32> to vector<32xf32>
    %broadcast_in_dim3A_105 = vector.shape_cast %reduce_sum3A_104 : vector<32xf32> to vector<32x1xf32>
    %reduce_sum3A_106 = arith.constant dense<0.000000e+00> : vector<32xf32>
    %reduce_sum3A_107 = vector.multi_reduction <add>, %convert_element_type3A_98, %reduce_sum3A_106 [1] : vector<32x128xf32> to vector<32xf32>
    %broadcast_in_dim3A_108 = vector.shape_cast %reduce_sum3A_107 : vector<32xf32> to vector<32x1xf32>
    %dot_general3A_109 = arith.constant dense<0.000000e+00> : vector<32x1xf32>
    %dot_general3A_110 = tpu.matmul %convert_element_type3A_11, %broadcast_in_dim3A_105, %dot_general3A_109 {dimension_numbers = #tpu.dot_dimension_numbers<[1], [0], [0], [1], [0, 0, 1, 1], [], []>, transpose_lhs_hint = false} : vector<32x32xf32>, vector<32x1xf32>, vector<32x1xf32> -> vector<32x1xf32>
    %dot_general3A_111 = arith.constant dense<0.000000e+00> : vector<32x1xf32>
    %dot_general3A_112 = tpu.matmul %convert_element_type3A_11, %broadcast_in_dim3A_108, %dot_general3A_111 {dimension_numbers = #tpu.dot_dimension_numbers<[1], [0], [0], [1], [0, 0, 1, 1], [], []>, transpose_lhs_hint = false} : vector<32x32xf32>, vector<32x1xf32>, vector<32x1xf32> -> vector<32x1xf32>
    %reduce_sum3A_113 = vector.shape_cast %broadcast_in_dim3A_105 : vector<32x1xf32> to vector<1x32x1xf32>
    %reduce_sum3A_114 = arith.constant dense<0.000000e+00> : vector<1xf32>
    %reduce_sum3A_115 = vector.multi_reduction <add>, %reduce_sum3A_113, %reduce_sum3A_114 [1, 2] : vector<1x32x1xf32> to vector<1xf32>
    %reduce_sum3A_116 = vector.shape_cast %reduce_sum3A_115 : vector<1xf32> to vector<1x1x1xf32>
    %reduce_sum3A_117 = vector.extract %reduce_sum3A_116[0, 0, 0] : f32 from vector<1x1x1xf32>
    %add3A_118 = vector.broadcast %dot_general3A_110 : vector<32x1xf32> to vector<32x128xf32>
    %add3A_119 = arith.addf %dot_general3A_100, %add3A_118 : vector<32x128xf32>
    %add3A_120 = vector.broadcast %reduce_sum3A_117 : f32 to vector<32x128xf32>
    %add3A_121 = arith.addf %add3A_120, %dot_general3A_102 : vector<32x128xf32>
    %add3A_122 = vector.broadcast %dot_general3A_112 : vector<32x1xf32> to vector<32x128xf32>
    %add3A_123 = arith.addf %add3A_121, %add3A_122 : vector<32x128xf32>
    %reduce_sum3A_124 = vector.shape_cast %broadcast_in_dim3A_108 : vector<32x1xf32> to vector<1x32x1xf32>
    %reduce_sum3A_125 = arith.constant dense<0.000000e+00> : vector<1xf32>
    %reduce_sum3A_126 = vector.multi_reduction <add>, %reduce_sum3A_124, %reduce_sum3A_125 [1, 2] : vector<1x32x1xf32> to vector<1xf32>
    %reduce_sum3A_127 = vector.shape_cast %reduce_sum3A_126 : vector<1xf32> to vector<1x1x1xf32>
    %reduce_sum3A_128 = vector.extract %reduce_sum3A_127[0, 0, 0] : f32 from vector<1x1x1xf32>
    %add3A_129 = arith.addf %reduce_sum3A_117, %reduce_sum3A_128 : f32
    %eq3A_130 = arith.constant 3 : i32
    %eq3A_131 = vector.broadcast %eq3A_130 : i32 to vector<32x128xi32>
    %eq3A_132 = arith.cmpi eq, %get3A_1, %eq3A_131 : vector<32x128xi32>
    %convert_element_type3A_133 = arith.extui %eq3A_132 : vector<32x128xi1> to vector<32x128xi32>
    %convert_element_type3A_134 = arith.sitofp %convert_element_type3A_133 : vector<32x128xi32> to vector<32x128xf32>
    %eq3A_135 = arith.constant 3 : i32
    %eq3A_136 = vector.broadcast %eq3A_135 : i32 to vector<32x128xi32>
    %eq3A_137 = arith.cmpi eq, %get3A_4, %eq3A_136 : vector<32x128xi32>
    %convert_element_type3A_138 = arith.extui %eq3A_137 : vector<32x128xi1> to vector<32x128xi32>
    %convert_element_type3A_139 = arith.sitofp %convert_element_type3A_138 : vector<32x128xi32> to vector<32x128xf32>
    %dot_general3A_140 = arith.constant dense<0.000000e+00> : vector<32x128xf32>
    %dot_general3A_141 = tpu.matmul %convert_element_type3A_134, %convert_element_type3A_6, %dot_general3A_140 {dimension_numbers = #tpu.dot_dimension_numbers<[1], [0], [0], [1], [0, 0, 1, 1], [], []>, transpose_lhs_hint = false} : vector<32x128xf32>, vector<128x128xf32>, vector<32x128xf32> -> vector<32x128xf32>
    %dot_general3A_142 = arith.constant dense<0.000000e+00> : vector<32x128xf32>
    %dot_general3A_143 = tpu.matmul %convert_element_type3A_139, %convert_element_type3A_6, %dot_general3A_142 {dimension_numbers = #tpu.dot_dimension_numbers<[1], [0], [0], [1], [0, 0, 1, 1], [], []>, transpose_lhs_hint = false} : vector<32x128xf32>, vector<128x128xf32>, vector<32x128xf32> -> vector<32x128xf32>
    %reduce_sum3A_144 = arith.constant dense<0.000000e+00> : vector<32xf32>
    %reduce_sum3A_145 = vector.multi_reduction <add>, %convert_element_type3A_134, %reduce_sum3A_144 [1] : vector<32x128xf32> to vector<32xf32>
    %broadcast_in_dim3A_146 = vector.shape_cast %reduce_sum3A_145 : vector<32xf32> to vector<32x1xf32>
    %reduce_sum3A_147 = arith.constant dense<0.000000e+00> : vector<32xf32>
    %reduce_sum3A_148 = vector.multi_reduction <add>, %convert_element_type3A_139, %reduce_sum3A_147 [1] : vector<32x128xf32> to vector<32xf32>
    %broadcast_in_dim3A_149 = vector.shape_cast %reduce_sum3A_148 : vector<32xf32> to vector<32x1xf32>
    %dot_general3A_150 = arith.constant dense<0.000000e+00> : vector<32x1xf32>
    %dot_general3A_151 = tpu.matmul %convert_element_type3A_11, %broadcast_in_dim3A_146, %dot_general3A_150 {dimension_numbers = #tpu.dot_dimension_numbers<[1], [0], [0], [1], [0, 0, 1, 1], [], []>, transpose_lhs_hint = false} : vector<32x32xf32>, vector<32x1xf32>, vector<32x1xf32> -> vector<32x1xf32>
    %dot_general3A_152 = arith.constant dense<0.000000e+00> : vector<32x1xf32>
    %dot_general3A_153 = tpu.matmul %convert_element_type3A_11, %broadcast_in_dim3A_149, %dot_general3A_152 {dimension_numbers = #tpu.dot_dimension_numbers<[1], [0], [0], [1], [0, 0, 1, 1], [], []>, transpose_lhs_hint = false} : vector<32x32xf32>, vector<32x1xf32>, vector<32x1xf32> -> vector<32x1xf32>
    %reduce_sum3A_154 = vector.shape_cast %broadcast_in_dim3A_146 : vector<32x1xf32> to vector<1x32x1xf32>
    %reduce_sum3A_155 = arith.constant dense<0.000000e+00> : vector<1xf32>
    %reduce_sum3A_156 = vector.multi_reduction <add>, %reduce_sum3A_154, %reduce_sum3A_155 [1, 2] : vector<1x32x1xf32> to vector<1xf32>
    %reduce_sum3A_157 = vector.shape_cast %reduce_sum3A_156 : vector<1xf32> to vector<1x1x1xf32>
    %reduce_sum3A_158 = vector.extract %reduce_sum3A_157[0, 0, 0] : f32 from vector<1x1x1xf32>
    %add3A_159 = vector.broadcast %dot_general3A_151 : vector<32x1xf32> to vector<32x128xf32>
    %add3A_160 = arith.addf %dot_general3A_141, %add3A_159 : vector<32x128xf32>
    %add3A_161 = vector.broadcast %reduce_sum3A_158 : f32 to vector<32x128xf32>
    %add3A_162 = arith.addf %add3A_161, %dot_general3A_143 : vector<32x128xf32>
    %add3A_163 = vector.broadcast %dot_general3A_153 : vector<32x1xf32> to vector<32x128xf32>
    %add3A_164 = arith.addf %add3A_162, %add3A_163 : vector<32x128xf32>
    %reduce_sum3A_165 = vector.shape_cast %broadcast_in_dim3A_149 : vector<32x1xf32> to vector<1x32x1xf32>
    %reduce_sum3A_166 = arith.constant dense<0.000000e+00> : vector<1xf32>
    %reduce_sum3A_167 = vector.multi_reduction <add>, %reduce_sum3A_165, %reduce_sum3A_166 [1, 2] : vector<1x32x1xf32> to vector<1xf32>
    %reduce_sum3A_168 = vector.shape_cast %reduce_sum3A_167 : vector<1xf32> to vector<1x1x1xf32>
    %reduce_sum3A_169 = vector.extract %reduce_sum3A_168[0, 0, 0] : f32 from vector<1x1x1xf32>
    %add3A_170 = arith.addf %reduce_sum3A_158, %reduce_sum3A_169 : f32
    %eq3A_171 = arith.constant 4 : i32
    %eq3A_172 = vector.broadcast %eq3A_171 : i32 to vector<32x128xi32>
    %eq3A_173 = arith.cmpi eq, %get3A_1, %eq3A_172 : vector<32x128xi32>
    %convert_element_type3A_174 = arith.extui %eq3A_173 : vector<32x128xi1> to vector<32x128xi32>
    %convert_element_type3A_175 = arith.sitofp %convert_element_type3A_174 : vector<32x128xi32> to vector<32x128xf32>
    %eq3A_176 = arith.constant 4 : i32
    %eq3A_177 = vector.broadcast %eq3A_176 : i32 to vector<32x128xi32>
    %eq3A_178 = arith.cmpi eq, %get3A_4, %eq3A_177 : vector<32x128xi32>
    %convert_element_type3A_179 = arith.extui %eq3A_178 : vector<32x128xi1> to vector<32x128xi32>
    %convert_element_type3A_180 = arith.sitofp %convert_element_type3A_179 : vector<32x128xi32> to vector<32x128xf32>
    %dot_general3A_181 = arith.constant dense<0.000000e+00> : vector<32x128xf32>
    %dot_general3A_182 = tpu.matmul %convert_element_type3A_175, %convert_element_type3A_6, %dot_general3A_181 {dimension_numbers = #tpu.dot_dimension_numbers<[1], [0], [0], [1], [0, 0, 1, 1], [], []>, transpose_lhs_hint = false} : vector<32x128xf32>, vector<128x128xf32>, vector<32x128xf32> -> vector<32x128xf32>
    %dot_general3A_183 = arith.constant dense<0.000000e+00> : vector<32x128xf32>
    %dot_general3A_184 = tpu.matmul %convert_element_type3A_180, %convert_element_type3A_6, %dot_general3A_183 {dimension_numbers = #tpu.dot_dimension_numbers<[1], [0], [0], [1], [0, 0, 1, 1], [], []>, transpose_lhs_hint = false} : vector<32x128xf32>, vector<128x128xf32>, vector<32x128xf32> -> vector<32x128xf32>
    %reduce_sum3A_185 = arith.constant dense<0.000000e+00> : vector<32xf32>
    %reduce_sum3A_186 = vector.multi_reduction <add>, %convert_element_type3A_175, %reduce_sum3A_185 [1] : vector<32x128xf32> to vector<32xf32>
    %broadcast_in_dim3A_187 = vector.shape_cast %reduce_sum3A_186 : vector<32xf32> to vector<32x1xf32>
    %reduce_sum3A_188 = arith.constant dense<0.000000e+00> : vector<32xf32>
    %reduce_sum3A_189 = vector.multi_reduction <add>, %convert_element_type3A_180, %reduce_sum3A_188 [1] : vector<32x128xf32> to vector<32xf32>
    %broadcast_in_dim3A_190 = vector.shape_cast %reduce_sum3A_189 : vector<32xf32> to vector<32x1xf32>
    %dot_general3A_191 = arith.constant dense<0.000000e+00> : vector<32x1xf32>
    %dot_general3A_192 = tpu.matmul %convert_element_type3A_11, %broadcast_in_dim3A_187, %dot_general3A_191 {dimension_numbers = #tpu.dot_dimension_numbers<[1], [0], [0], [1], [0, 0, 1, 1], [], []>, transpose_lhs_hint = false} : vector<32x32xf32>, vector<32x1xf32>, vector<32x1xf32> -> vector<32x1xf32>
    %dot_general3A_193 = arith.constant dense<0.000000e+00> : vector<32x1xf32>
    %dot_general3A_194 = tpu.matmul %convert_element_type3A_11, %broadcast_in_dim3A_190, %dot_general3A_193 {dimension_numbers = #tpu.dot_dimension_numbers<[1], [0], [0], [1], [0, 0, 1, 1], [], []>, transpose_lhs_hint = false} : vector<32x32xf32>, vector<32x1xf32>, vector<32x1xf32> -> vector<32x1xf32>
    %reduce_sum3A_195 = vector.shape_cast %broadcast_in_dim3A_187 : vector<32x1xf32> to vector<1x32x1xf32>
    %reduce_sum3A_196 = arith.constant dense<0.000000e+00> : vector<1xf32>
    %reduce_sum3A_197 = vector.multi_reduction <add>, %reduce_sum3A_195, %reduce_sum3A_196 [1, 2] : vector<1x32x1xf32> to vector<1xf32>
    %reduce_sum3A_198 = vector.shape_cast %reduce_sum3A_197 : vector<1xf32> to vector<1x1x1xf32>
    %reduce_sum3A_199 = vector.extract %reduce_sum3A_198[0, 0, 0] : f32 from vector<1x1x1xf32>
    %add3A_200 = vector.broadcast %dot_general3A_192 : vector<32x1xf32> to vector<32x128xf32>
    %add3A_201 = arith.addf %dot_general3A_182, %add3A_200 : vector<32x128xf32>
    %add3A_202 = vector.broadcast %reduce_sum3A_199 : f32 to vector<32x128xf32>
    %add3A_203 = arith.addf %add3A_202, %dot_general3A_184 : vector<32x128xf32>
    %add3A_204 = vector.broadcast %dot_general3A_194 : vector<32x1xf32> to vector<32x128xf32>
    %add3A_205 = arith.addf %add3A_203, %add3A_204 : vector<32x128xf32>
    %reduce_sum3A_206 = vector.shape_cast %broadcast_in_dim3A_190 : vector<32x1xf32> to vector<1x32x1xf32>
    %reduce_sum3A_207 = arith.constant dense<0.000000e+00> : vector<1xf32>
    %reduce_sum3A_208 = vector.multi_reduction <add>, %reduce_sum3A_206, %reduce_sum3A_207 [1, 2] : vector<1x32x1xf32> to vector<1xf32>
    %reduce_sum3A_209 = vector.shape_cast %reduce_sum3A_208 : vector<1xf32> to vector<1x1x1xf32>
    %reduce_sum3A_210 = vector.extract %reduce_sum3A_209[0, 0, 0] : f32 from vector<1x1x1xf32>
    %add3A_211 = arith.addf %reduce_sum3A_199, %reduce_sum3A_210 : f32
    %eq3A_212 = arith.constant 5 : i32
    %eq3A_213 = vector.broadcast %eq3A_212 : i32 to vector<32x128xi32>
    %eq3A_214 = arith.cmpi eq, %get3A_1, %eq3A_213 : vector<32x128xi32>
    %convert_element_type3A_215 = arith.extui %eq3A_214 : vector<32x128xi1> to vector<32x128xi32>
    %convert_element_type3A_216 = arith.sitofp %convert_element_type3A_215 : vector<32x128xi32> to vector<32x128xf32>
    %eq3A_217 = arith.constant 5 : i32
    %eq3A_218 = vector.broadcast %eq3A_217 : i32 to vector<32x128xi32>
    %eq3A_219 = arith.cmpi eq, %get3A_4, %eq3A_218 : vector<32x128xi32>
    %convert_element_type3A_220 = arith.extui %eq3A_219 : vector<32x128xi1> to vector<32x128xi32>
    %convert_element_type3A_221 = arith.sitofp %convert_element_type3A_220 : vector<32x128xi32> to vector<32x128xf32>
    %dot_general3A_222 = arith.constant dense<0.000000e+00> : vector<32x128xf32>
    %dot_general3A_223 = tpu.matmul %convert_element_type3A_216, %convert_element_type3A_6, %dot_general3A_222 {dimension_numbers = #tpu.dot_dimension_numbers<[1], [0], [0], [1], [0, 0, 1, 1], [], []>, transpose_lhs_hint = false} : vector<32x128xf32>, vector<128x128xf32>, vector<32x128xf32> -> vector<32x128xf32>
    %dot_general3A_224 = arith.constant dense<0.000000e+00> : vector<32x128xf32>
    %dot_general3A_225 = tpu.matmul %convert_element_type3A_221, %convert_element_type3A_6, %dot_general3A_224 {dimension_numbers = #tpu.dot_dimension_numbers<[1], [0], [0], [1], [0, 0, 1, 1], [], []>, transpose_lhs_hint = false} : vector<32x128xf32>, vector<128x128xf32>, vector<32x128xf32> -> vector<32x128xf32>
    %reduce_sum3A_226 = arith.constant dense<0.000000e+00> : vector<32xf32>
    %reduce_sum3A_227 = vector.multi_reduction <add>, %convert_element_type3A_216, %reduce_sum3A_226 [1] : vector<32x128xf32> to vector<32xf32>
    %broadcast_in_dim3A_228 = vector.shape_cast %reduce_sum3A_227 : vector<32xf32> to vector<32x1xf32>
    %reduce_sum3A_229 = arith.constant dense<0.000000e+00> : vector<32xf32>
    %reduce_sum3A_230 = vector.multi_reduction <add>, %convert_element_type3A_221, %reduce_sum3A_229 [1] : vector<32x128xf32> to vector<32xf32>
    %broadcast_in_dim3A_231 = vector.shape_cast %reduce_sum3A_230 : vector<32xf32> to vector<32x1xf32>
    %dot_general3A_232 = arith.constant dense<0.000000e+00> : vector<32x1xf32>
    %dot_general3A_233 = tpu.matmul %convert_element_type3A_11, %broadcast_in_dim3A_228, %dot_general3A_232 {dimension_numbers = #tpu.dot_dimension_numbers<[1], [0], [0], [1], [0, 0, 1, 1], [], []>, transpose_lhs_hint = false} : vector<32x32xf32>, vector<32x1xf32>, vector<32x1xf32> -> vector<32x1xf32>
    %dot_general3A_234 = arith.constant dense<0.000000e+00> : vector<32x1xf32>
    %dot_general3A_235 = tpu.matmul %convert_element_type3A_11, %broadcast_in_dim3A_231, %dot_general3A_234 {dimension_numbers = #tpu.dot_dimension_numbers<[1], [0], [0], [1], [0, 0, 1, 1], [], []>, transpose_lhs_hint = false} : vector<32x32xf32>, vector<32x1xf32>, vector<32x1xf32> -> vector<32x1xf32>
    %reduce_sum3A_236 = vector.shape_cast %broadcast_in_dim3A_228 : vector<32x1xf32> to vector<1x32x1xf32>
    %reduce_sum3A_237 = arith.constant dense<0.000000e+00> : vector<1xf32>
    %reduce_sum3A_238 = vector.multi_reduction <add>, %reduce_sum3A_236, %reduce_sum3A_237 [1, 2] : vector<1x32x1xf32> to vector<1xf32>
    %reduce_sum3A_239 = vector.shape_cast %reduce_sum3A_238 : vector<1xf32> to vector<1x1x1xf32>
    %reduce_sum3A_240 = vector.extract %reduce_sum3A_239[0, 0, 0] : f32 from vector<1x1x1xf32>
    %add3A_241 = vector.broadcast %dot_general3A_233 : vector<32x1xf32> to vector<32x128xf32>
    %add3A_242 = arith.addf %dot_general3A_223, %add3A_241 : vector<32x128xf32>
    %add3A_243 = vector.broadcast %reduce_sum3A_240 : f32 to vector<32x128xf32>
    %add3A_244 = arith.addf %add3A_243, %dot_general3A_225 : vector<32x128xf32>
    %add3A_245 = vector.broadcast %dot_general3A_235 : vector<32x1xf32> to vector<32x128xf32>
    %add3A_246 = arith.addf %add3A_244, %add3A_245 : vector<32x128xf32>
    %reduce_sum3A_247 = vector.shape_cast %broadcast_in_dim3A_231 : vector<32x1xf32> to vector<1x32x1xf32>
    %reduce_sum3A_248 = arith.constant dense<0.000000e+00> : vector<1xf32>
    %reduce_sum3A_249 = vector.multi_reduction <add>, %reduce_sum3A_247, %reduce_sum3A_248 [1, 2] : vector<1x32x1xf32> to vector<1xf32>
    %reduce_sum3A_250 = vector.shape_cast %reduce_sum3A_249 : vector<1xf32> to vector<1x1x1xf32>
    %reduce_sum3A_251 = vector.extract %reduce_sum3A_250[0, 0, 0] : f32 from vector<1x1x1xf32>
    %add3A_252 = arith.addf %reduce_sum3A_240, %reduce_sum3A_251 : f32
    %eq3A_253 = arith.constant 6 : i32
    %eq3A_254 = vector.broadcast %eq3A_253 : i32 to vector<32x128xi32>
    %eq3A_255 = arith.cmpi eq, %get3A_1, %eq3A_254 : vector<32x128xi32>
    %convert_element_type3A_256 = arith.extui %eq3A_255 : vector<32x128xi1> to vector<32x128xi32>
    %convert_element_type3A_257 = arith.sitofp %convert_element_type3A_256 : vector<32x128xi32> to vector<32x128xf32>
    %eq3A_258 = arith.constant 6 : i32
    %eq3A_259 = vector.broadcast %eq3A_258 : i32 to vector<32x128xi32>
    %eq3A_260 = arith.cmpi eq, %get3A_4, %eq3A_259 : vector<32x128xi32>
    %convert_element_type3A_261 = arith.extui %eq3A_260 : vector<32x128xi1> to vector<32x128xi32>
    %convert_element_type3A_262 = arith.sitofp %convert_element_type3A_261 : vector<32x128xi32> to vector<32x128xf32>
    %dot_general3A_263 = arith.constant dense<0.000000e+00> : vector<32x128xf32>
    %dot_general3A_264 = tpu.matmul %convert_element_type3A_257, %convert_element_type3A_6, %dot_general3A_263 {dimension_numbers = #tpu.dot_dimension_numbers<[1], [0], [0], [1], [0, 0, 1, 1], [], []>, transpose_lhs_hint = false} : vector<32x128xf32>, vector<128x128xf32>, vector<32x128xf32> -> vector<32x128xf32>
    %dot_general3A_265 = arith.constant dense<0.000000e+00> : vector<32x128xf32>
    %dot_general3A_266 = tpu.matmul %convert_element_type3A_262, %convert_element_type3A_6, %dot_general3A_265 {dimension_numbers = #tpu.dot_dimension_numbers<[1], [0], [0], [1], [0, 0, 1, 1], [], []>, transpose_lhs_hint = false} : vector<32x128xf32>, vector<128x128xf32>, vector<32x128xf32> -> vector<32x128xf32>
    %reduce_sum3A_267 = arith.constant dense<0.000000e+00> : vector<32xf32>
    %reduce_sum3A_268 = vector.multi_reduction <add>, %convert_element_type3A_257, %reduce_sum3A_267 [1] : vector<32x128xf32> to vector<32xf32>
    %broadcast_in_dim3A_269 = vector.shape_cast %reduce_sum3A_268 : vector<32xf32> to vector<32x1xf32>
    %reduce_sum3A_270 = arith.constant dense<0.000000e+00> : vector<32xf32>
    %reduce_sum3A_271 = vector.multi_reduction <add>, %convert_element_type3A_262, %reduce_sum3A_270 [1] : vector<32x128xf32> to vector<32xf32>
    %broadcast_in_dim3A_272 = vector.shape_cast %reduce_sum3A_271 : vector<32xf32> to vector<32x1xf32>
    %dot_general3A_273 = arith.constant dense<0.000000e+00> : vector<32x1xf32>
    %dot_general3A_274 = tpu.matmul %convert_element_type3A_11, %broadcast_in_dim3A_269, %dot_general3A_273 {dimension_numbers = #tpu.dot_dimension_numbers<[1], [0], [0], [1], [0, 0, 1, 1], [], []>, transpose_lhs_hint = false} : vector<32x32xf32>, vector<32x1xf32>, vector<32x1xf32> -> vector<32x1xf32>
    %dot_general3A_275 = arith.constant dense<0.000000e+00> : vector<32x1xf32>
    %dot_general3A_276 = tpu.matmul %convert_element_type3A_11, %broadcast_in_dim3A_272, %dot_general3A_275 {dimension_numbers = #tpu.dot_dimension_numbers<[1], [0], [0], [1], [0, 0, 1, 1], [], []>, transpose_lhs_hint = false} : vector<32x32xf32>, vector<32x1xf32>, vector<32x1xf32> -> vector<32x1xf32>
    %reduce_sum3A_277 = vector.shape_cast %broadcast_in_dim3A_269 : vector<32x1xf32> to vector<1x32x1xf32>
    %reduce_sum3A_278 = arith.constant dense<0.000000e+00> : vector<1xf32>
    %reduce_sum3A_279 = vector.multi_reduction <add>, %reduce_sum3A_277, %reduce_sum3A_278 [1, 2] : vector<1x32x1xf32> to vector<1xf32>
    %reduce_sum3A_280 = vector.shape_cast %reduce_sum3A_279 : vector<1xf32> to vector<1x1x1xf32>
    %reduce_sum3A_281 = vector.extract %reduce_sum3A_280[0, 0, 0] : f32 from vector<1x1x1xf32>
    %add3A_282 = vector.broadcast %dot_general3A_274 : vector<32x1xf32> to vector<32x128xf32>
    %add3A_283 = arith.addf %dot_general3A_264, %add3A_282 : vector<32x128xf32>
    %add3A_284 = vector.broadcast %reduce_sum3A_281 : f32 to vector<32x128xf32>
    %add3A_285 = arith.addf %add3A_284, %dot_general3A_266 : vector<32x128xf32>
    %add3A_286 = vector.broadcast %dot_general3A_276 : vector<32x1xf32> to vector<32x128xf32>
    %add3A_287 = arith.addf %add3A_285, %add3A_286 : vector<32x128xf32>
    %reduce_sum3A_288 = vector.shape_cast %broadcast_in_dim3A_272 : vector<32x1xf32> to vector<1x32x1xf32>
    %reduce_sum3A_289 = arith.constant dense<0.000000e+00> : vector<1xf32>
    %reduce_sum3A_290 = vector.multi_reduction <add>, %reduce_sum3A_288, %reduce_sum3A_289 [1, 2] : vector<1x32x1xf32> to vector<1xf32>
    %reduce_sum3A_291 = vector.shape_cast %reduce_sum3A_290 : vector<1xf32> to vector<1x1x1xf32>
    %reduce_sum3A_292 = vector.extract %reduce_sum3A_291[0, 0, 0] : f32 from vector<1x1x1xf32>
    %add3A_293 = arith.addf %reduce_sum3A_281, %reduce_sum3A_292 : f32
    %eq3A_294 = arith.constant 7 : i32
    %eq3A_295 = vector.broadcast %eq3A_294 : i32 to vector<32x128xi32>
    %eq3A_296 = arith.cmpi eq, %get3A_1, %eq3A_295 : vector<32x128xi32>
    %convert_element_type3A_297 = arith.extui %eq3A_296 : vector<32x128xi1> to vector<32x128xi32>
    %convert_element_type3A_298 = arith.sitofp %convert_element_type3A_297 : vector<32x128xi32> to vector<32x128xf32>
    %eq3A_299 = arith.constant 7 : i32
    %eq3A_300 = vector.broadcast %eq3A_299 : i32 to vector<32x128xi32>
    %eq3A_301 = arith.cmpi eq, %get3A_4, %eq3A_300 : vector<32x128xi32>
    %convert_element_type3A_302 = arith.extui %eq3A_301 : vector<32x128xi1> to vector<32x128xi32>
    %convert_element_type3A_303 = arith.sitofp %convert_element_type3A_302 : vector<32x128xi32> to vector<32x128xf32>
    %dot_general3A_304 = arith.constant dense<0.000000e+00> : vector<32x128xf32>
    %dot_general3A_305 = tpu.matmul %convert_element_type3A_298, %convert_element_type3A_6, %dot_general3A_304 {dimension_numbers = #tpu.dot_dimension_numbers<[1], [0], [0], [1], [0, 0, 1, 1], [], []>, transpose_lhs_hint = false} : vector<32x128xf32>, vector<128x128xf32>, vector<32x128xf32> -> vector<32x128xf32>
    %dot_general3A_306 = arith.constant dense<0.000000e+00> : vector<32x128xf32>
    %dot_general3A_307 = tpu.matmul %convert_element_type3A_303, %convert_element_type3A_6, %dot_general3A_306 {dimension_numbers = #tpu.dot_dimension_numbers<[1], [0], [0], [1], [0, 0, 1, 1], [], []>, transpose_lhs_hint = false} : vector<32x128xf32>, vector<128x128xf32>, vector<32x128xf32> -> vector<32x128xf32>
    %reduce_sum3A_308 = arith.constant dense<0.000000e+00> : vector<32xf32>
    %reduce_sum3A_309 = vector.multi_reduction <add>, %convert_element_type3A_298, %reduce_sum3A_308 [1] : vector<32x128xf32> to vector<32xf32>
    %broadcast_in_dim3A_310 = vector.shape_cast %reduce_sum3A_309 : vector<32xf32> to vector<32x1xf32>
    %reduce_sum3A_311 = arith.constant dense<0.000000e+00> : vector<32xf32>
    %reduce_sum3A_312 = vector.multi_reduction <add>, %convert_element_type3A_303, %reduce_sum3A_311 [1] : vector<32x128xf32> to vector<32xf32>
    %broadcast_in_dim3A_313 = vector.shape_cast %reduce_sum3A_312 : vector<32xf32> to vector<32x1xf32>
    %dot_general3A_314 = arith.constant dense<0.000000e+00> : vector<32x1xf32>
    %dot_general3A_315 = tpu.matmul %convert_element_type3A_11, %broadcast_in_dim3A_310, %dot_general3A_314 {dimension_numbers = #tpu.dot_dimension_numbers<[1], [0], [0], [1], [0, 0, 1, 1], [], []>, transpose_lhs_hint = false} : vector<32x32xf32>, vector<32x1xf32>, vector<32x1xf32> -> vector<32x1xf32>
    %dot_general3A_316 = arith.constant dense<0.000000e+00> : vector<32x1xf32>
    %dot_general3A_317 = tpu.matmul %convert_element_type3A_11, %broadcast_in_dim3A_313, %dot_general3A_316 {dimension_numbers = #tpu.dot_dimension_numbers<[1], [0], [0], [1], [0, 0, 1, 1], [], []>, transpose_lhs_hint = false} : vector<32x32xf32>, vector<32x1xf32>, vector<32x1xf32> -> vector<32x1xf32>
    %reduce_sum3A_318 = vector.shape_cast %broadcast_in_dim3A_310 : vector<32x1xf32> to vector<1x32x1xf32>
    %reduce_sum3A_319 = arith.constant dense<0.000000e+00> : vector<1xf32>
    %reduce_sum3A_320 = vector.multi_reduction <add>, %reduce_sum3A_318, %reduce_sum3A_319 [1, 2] : vector<1x32x1xf32> to vector<1xf32>
    %reduce_sum3A_321 = vector.shape_cast %reduce_sum3A_320 : vector<1xf32> to vector<1x1x1xf32>
    %reduce_sum3A_322 = vector.extract %reduce_sum3A_321[0, 0, 0] : f32 from vector<1x1x1xf32>
    %add3A_323 = vector.broadcast %dot_general3A_315 : vector<32x1xf32> to vector<32x128xf32>
    %add3A_324 = arith.addf %dot_general3A_305, %add3A_323 : vector<32x128xf32>
    %add3A_325 = vector.broadcast %reduce_sum3A_322 : f32 to vector<32x128xf32>
    %add3A_326 = arith.addf %add3A_325, %dot_general3A_307 : vector<32x128xf32>
    %add3A_327 = vector.broadcast %dot_general3A_317 : vector<32x1xf32> to vector<32x128xf32>
    %add3A_328 = arith.addf %add3A_326, %add3A_327 : vector<32x128xf32>
    %reduce_sum3A_329 = vector.shape_cast %broadcast_in_dim3A_313 : vector<32x1xf32> to vector<1x32x1xf32>
    %reduce_sum3A_330 = arith.constant dense<0.000000e+00> : vector<1xf32>
    %reduce_sum3A_331 = vector.multi_reduction <add>, %reduce_sum3A_329, %reduce_sum3A_330 [1, 2] : vector<1x32x1xf32> to vector<1xf32>
    %reduce_sum3A_332 = vector.shape_cast %reduce_sum3A_331 : vector<1xf32> to vector<1x1x1xf32>
    %reduce_sum3A_333 = vector.extract %reduce_sum3A_332[0, 0, 0] : f32 from vector<1x1x1xf32>
    %add3A_334 = arith.addf %reduce_sum3A_322, %reduce_sum3A_333 : f32
    %broadcast_in_dim3A_335 = arith.constant 0.000000e+00 : f32
    %broadcast_in_dim3A_336 = vector.broadcast %broadcast_in_dim3A_335 : f32 to vector<32x128xf32>
    %broadcast_in_dim3A_337 = arith.constant 0.000000e+00 : f32
    %broadcast_in_dim3A_338 = vector.broadcast %broadcast_in_dim3A_337 : f32 to vector<32x128xf32>
    %broadcast_in_dim3A_339 = arith.constant -1 : i32
    %broadcast_in_dim3A_340 = vector.broadcast %broadcast_in_dim3A_339 : i32 to vector<8x128xi32>
    %iota3A_341 = tpu.iota {dimensions = array<i32: 0>} : vector<8x128xi32>
    %mul3A = arith.constant 128 : i32
    %mul3A_342 = vector.broadcast %mul3A : i32 to vector<8x128xi32>
    %mul3A_343 = arith.muli %iota3A_341, %mul3A_342 : vector<8x128xi32>
    %iota3A_344 = tpu.iota {dimensions = array<i32: 1>} : vector<8x128xi32>
    %add3A_345 = arith.addi %mul3A_343, %iota3A_344 : vector<8x128xi32>
    %convert_element_type3A_346 = arith.sitofp %add3A_345 : vector<8x128xi32> to vector<8x128xf32>
    %add3A_347 = arith.constant 0.000000e+00 : f32
    %add3A_348 = vector.broadcast %add3A_347 : f32 to vector<32x128xf32>
    %add3A_349 = arith.addf %add3A_348, %add3A_37 : vector<32x128xf32>
    %mul3A_350 = arith.mulf %convert_element_type3A_15, %add3A_349 : vector<32x128xf32>
    %add3A_351 = arith.addf %broadcast_in_dim3A_336, %mul3A_350 : vector<32x128xf32>
    %add3A_352 = arith.constant 0.000000e+00 : f32
    %add3A_353 = vector.broadcast %add3A_352 : f32 to vector<32x128xf32>
    %add3A_354 = arith.addf %add3A_353, %add3A_41 : vector<32x128xf32>
    %mul3A_355 = arith.mulf %convert_element_type3A_20, %add3A_354 : vector<32x128xf32>
    %add3A_356 = arith.addf %broadcast_in_dim3A_338, %mul3A_355 : vector<32x128xf32>
    %mul3A_357 = arith.constant 5.120000e+02 : f32
    %mul3A_358 = vector.broadcast %mul3A_357 : f32 to vector<8x128xf32>
    %mul3A_359 = arith.mulf %convert_element_type3A_346, %mul3A_358 : vector<8x128xf32>
    %ge3A = arith.constant 0.000000e+00 : f32
    %ge3A_360 = vector.broadcast %ge3A : f32 to vector<8x128xf32>
    %ge3A_361 = arith.cmpf oge, %mul3A_359, %ge3A_360 : vector<8x128xf32>
    %convert_element_type3A_362 = arith.extui %ge3A_361 : vector<8x128xi1> to vector<8x128xi32>
    %add3A_363 = arith.addi %broadcast_in_dim3A_340, %convert_element_type3A_362 : vector<8x128xi32>
    %div3A = arith.constant 5.120000e+02 : f32
    %div3A_364 = arith.divf %add3A_47, %div3A : f32
    %ceil3A = math.ceil %div3A_364 : f32
    %mul3A_365 = arith.constant 5.120000e+02 : f32
    %mul3A_366 = arith.mulf %ceil3A, %mul3A_365 : f32
    %add3A_367 = arith.constant 0.000000e+00 : f32
    %add3A_368 = arith.addf %add3A_367, %mul3A_366 : f32
    %add3A_369 = vector.broadcast %add3A_368 : f32 to vector<32x128xf32>
    %add3A_370 = arith.addf %add3A_369, %add3A_78 : vector<32x128xf32>
    %mul3A_371 = arith.mulf %convert_element_type3A_52, %add3A_370 : vector<32x128xf32>
    %add3A_372 = arith.addf %add3A_351, %mul3A_371 : vector<32x128xf32>
    %add3A_373 = vector.broadcast %add3A_368 : f32 to vector<32x128xf32>
    %add3A_374 = arith.addf %add3A_373, %add3A_82 : vector<32x128xf32>
    %mul3A_375 = arith.mulf %convert_element_type3A_57, %add3A_374 : vector<32x128xf32>
    %add3A_376 = arith.addf %add3A_356, %mul3A_375 : vector<32x128xf32>
    %mul3A_377 = arith.constant 5.120000e+02 : f32
    %mul3A_378 = vector.broadcast %mul3A_377 : f32 to vector<8x128xf32>
    %mul3A_379 = arith.mulf %convert_element_type3A_346, %mul3A_378 : vector<8x128xf32>
    %ge3A_380 = vector.broadcast %add3A_368 : f32 to vector<8x128xf32>
    %ge3A_381 = arith.cmpf oge, %mul3A_379, %ge3A_380 : vector<8x128xf32>
    %convert_element_type3A_382 = arith.extui %ge3A_381 : vector<8x128xi1> to vector<8x128xi32>
    %add3A_383 = arith.addi %add3A_363, %convert_element_type3A_382 : vector<8x128xi32>
    %div3A_384 = arith.constant 5.120000e+02 : f32
    %div3A_385 = arith.divf %add3A_88, %div3A_384 : f32
    %ceil3A_386 = math.ceil %div3A_385 : f32
    %mul3A_387 = arith.constant 5.120000e+02 : f32
    %mul3A_388 = arith.mulf %ceil3A_386, %mul3A_387 : f32
    %add3A_389 = arith.addf %add3A_368, %mul3A_388 : f32
    %add3A_390 = vector.broadcast %add3A_389 : f32 to vector<32x128xf32>
    %add3A_391 = arith.addf %add3A_390, %add3A_119 : vector<32x128xf32>
    %mul3A_392 = arith.mulf %convert_element_type3A_93, %add3A_391 : vector<32x128xf32>
    %add3A_393 = arith.addf %add3A_372, %mul3A_392 : vector<32x128xf32>
    %add3A_394 = vector.broadcast %add3A_389 : f32 to vector<32x128xf32>
    %add3A_395 = arith.addf %add3A_394, %add3A_123 : vector<32x128xf32>
    %mul3A_396 = arith.mulf %convert_element_type3A_98, %add3A_395 : vector<32x128xf32>
    %add3A_397 = arith.addf %add3A_376, %mul3A_396 : vector<32x128xf32>
    %mul3A_398 = arith.constant 5.120000e+02 : f32
    %mul3A_399 = vector.broadcast %mul3A_398 : f32 to vector<8x128xf32>
    %mul3A_400 = arith.mulf %convert_element_type3A_346, %mul3A_399 : vector<8x128xf32>
    %ge3A_401 = vector.broadcast %add3A_389 : f32 to vector<8x128xf32>
    %ge3A_402 = arith.cmpf oge, %mul3A_400, %ge3A_401 : vector<8x128xf32>
    %convert_element_type3A_403 = arith.extui %ge3A_402 : vector<8x128xi1> to vector<8x128xi32>
    %add3A_404 = arith.addi %add3A_383, %convert_element_type3A_403 : vector<8x128xi32>
    %div3A_405 = arith.constant 5.120000e+02 : f32
    %div3A_406 = arith.divf %add3A_129, %div3A_405 : f32
    %ceil3A_407 = math.ceil %div3A_406 : f32
    %mul3A_408 = arith.constant 5.120000e+02 : f32
    %mul3A_409 = arith.mulf %ceil3A_407, %mul3A_408 : f32
    %add3A_410 = arith.addf %add3A_389, %mul3A_409 : f32
    %add3A_411 = vector.broadcast %add3A_410 : f32 to vector<32x128xf32>
    %add3A_412 = arith.addf %add3A_411, %add3A_160 : vector<32x128xf32>
    %mul3A_413 = arith.mulf %convert_element_type3A_134, %add3A_412 : vector<32x128xf32>
    %add3A_414 = arith.addf %add3A_393, %mul3A_413 : vector<32x128xf32>
    %add3A_415 = vector.broadcast %add3A_410 : f32 to vector<32x128xf32>
    %add3A_416 = arith.addf %add3A_415, %add3A_164 : vector<32x128xf32>
    %mul3A_417 = arith.mulf %convert_element_type3A_139, %add3A_416 : vector<32x128xf32>
    %add3A_418 = arith.addf %add3A_397, %mul3A_417 : vector<32x128xf32>
    %mul3A_419 = arith.constant 5.120000e+02 : f32
    %mul3A_420 = vector.broadcast %mul3A_419 : f32 to vector<8x128xf32>
    %mul3A_421 = arith.mulf %convert_element_type3A_346, %mul3A_420 : vector<8x128xf32>
    %ge3A_422 = vector.broadcast %add3A_410 : f32 to vector<8x128xf32>
    %ge3A_423 = arith.cmpf oge, %mul3A_421, %ge3A_422 : vector<8x128xf32>
    %convert_element_type3A_424 = arith.extui %ge3A_423 : vector<8x128xi1> to vector<8x128xi32>
    %add3A_425 = arith.addi %add3A_404, %convert_element_type3A_424 : vector<8x128xi32>
    %div3A_426 = arith.constant 5.120000e+02 : f32
    %div3A_427 = arith.divf %add3A_170, %div3A_426 : f32
    %ceil3A_428 = math.ceil %div3A_427 : f32
    %mul3A_429 = arith.constant 5.120000e+02 : f32
    %mul3A_430 = arith.mulf %ceil3A_428, %mul3A_429 : f32
    %add3A_431 = arith.addf %add3A_410, %mul3A_430 : f32
    %add3A_432 = vector.broadcast %add3A_431 : f32 to vector<32x128xf32>
    %add3A_433 = arith.addf %add3A_432, %add3A_201 : vector<32x128xf32>
    %mul3A_434 = arith.mulf %convert_element_type3A_175, %add3A_433 : vector<32x128xf32>
    %add3A_435 = arith.addf %add3A_414, %mul3A_434 : vector<32x128xf32>
    %add3A_436 = vector.broadcast %add3A_431 : f32 to vector<32x128xf32>
    %add3A_437 = arith.addf %add3A_436, %add3A_205 : vector<32x128xf32>
    %mul3A_438 = arith.mulf %convert_element_type3A_180, %add3A_437 : vector<32x128xf32>
    %add3A_439 = arith.addf %add3A_418, %mul3A_438 : vector<32x128xf32>
    %mul3A_440 = arith.constant 5.120000e+02 : f32
    %mul3A_441 = vector.broadcast %mul3A_440 : f32 to vector<8x128xf32>
    %mul3A_442 = arith.mulf %convert_element_type3A_346, %mul3A_441 : vector<8x128xf32>
    %ge3A_443 = vector.broadcast %add3A_431 : f32 to vector<8x128xf32>
    %ge3A_444 = arith.cmpf oge, %mul3A_442, %ge3A_443 : vector<8x128xf32>
    %convert_element_type3A_445 = arith.extui %ge3A_444 : vector<8x128xi1> to vector<8x128xi32>
    %add3A_446 = arith.addi %add3A_425, %convert_element_type3A_445 : vector<8x128xi32>
    %div3A_447 = arith.constant 5.120000e+02 : f32
    %div3A_448 = arith.divf %add3A_211, %div3A_447 : f32
    %ceil3A_449 = math.ceil %div3A_448 : f32
    %mul3A_450 = arith.constant 5.120000e+02 : f32
    %mul3A_451 = arith.mulf %ceil3A_449, %mul3A_450 : f32
    %add3A_452 = arith.addf %add3A_431, %mul3A_451 : f32
    %add3A_453 = vector.broadcast %add3A_452 : f32 to vector<32x128xf32>
    %add3A_454 = arith.addf %add3A_453, %add3A_242 : vector<32x128xf32>
    %mul3A_455 = arith.mulf %convert_element_type3A_216, %add3A_454 : vector<32x128xf32>
    %add3A_456 = arith.addf %add3A_435, %mul3A_455 : vector<32x128xf32>
    %add3A_457 = vector.broadcast %add3A_452 : f32 to vector<32x128xf32>
    %add3A_458 = arith.addf %add3A_457, %add3A_246 : vector<32x128xf32>
    %mul3A_459 = arith.mulf %convert_element_type3A_221, %add3A_458 : vector<32x128xf32>
    %add3A_460 = arith.addf %add3A_439, %mul3A_459 : vector<32x128xf32>
    %mul3A_461 = arith.constant 5.120000e+02 : f32
    %mul3A_462 = vector.broadcast %mul3A_461 : f32 to vector<8x128xf32>
    %mul3A_463 = arith.mulf %convert_element_type3A_346, %mul3A_462 : vector<8x128xf32>
    %ge3A_464 = vector.broadcast %add3A_452 : f32 to vector<8x128xf32>
    %ge3A_465 = arith.cmpf oge, %mul3A_463, %ge3A_464 : vector<8x128xf32>
    %convert_element_type3A_466 = arith.extui %ge3A_465 : vector<8x128xi1> to vector<8x128xi32>
    %add3A_467 = arith.addi %add3A_446, %convert_element_type3A_466 : vector<8x128xi32>
    %div3A_468 = arith.constant 5.120000e+02 : f32
    %div3A_469 = arith.divf %add3A_252, %div3A_468 : f32
    %ceil3A_470 = math.ceil %div3A_469 : f32
    %mul3A_471 = arith.constant 5.120000e+02 : f32
    %mul3A_472 = arith.mulf %ceil3A_470, %mul3A_471 : f32
    %add3A_473 = arith.addf %add3A_452, %mul3A_472 : f32
    %add3A_474 = vector.broadcast %add3A_473 : f32 to vector<32x128xf32>
    %add3A_475 = arith.addf %add3A_474, %add3A_283 : vector<32x128xf32>
    %mul3A_476 = arith.mulf %convert_element_type3A_257, %add3A_475 : vector<32x128xf32>
    %add3A_477 = arith.addf %add3A_456, %mul3A_476 : vector<32x128xf32>
    %add3A_478 = vector.broadcast %add3A_473 : f32 to vector<32x128xf32>
    %add3A_479 = arith.addf %add3A_478, %add3A_287 : vector<32x128xf32>
    %mul3A_480 = arith.mulf %convert_element_type3A_262, %add3A_479 : vector<32x128xf32>
    %add3A_481 = arith.addf %add3A_460, %mul3A_480 : vector<32x128xf32>
    %mul3A_482 = arith.constant 5.120000e+02 : f32
    %mul3A_483 = vector.broadcast %mul3A_482 : f32 to vector<8x128xf32>
    %mul3A_484 = arith.mulf %convert_element_type3A_346, %mul3A_483 : vector<8x128xf32>
    %ge3A_485 = vector.broadcast %add3A_473 : f32 to vector<8x128xf32>
    %ge3A_486 = arith.cmpf oge, %mul3A_484, %ge3A_485 : vector<8x128xf32>
    %convert_element_type3A_487 = arith.extui %ge3A_486 : vector<8x128xi1> to vector<8x128xi32>
    %add3A_488 = arith.addi %add3A_467, %convert_element_type3A_487 : vector<8x128xi32>
    %div3A_489 = arith.constant 5.120000e+02 : f32
    %div3A_490 = arith.divf %add3A_293, %div3A_489 : f32
    %ceil3A_491 = math.ceil %div3A_490 : f32
    %mul3A_492 = arith.constant 5.120000e+02 : f32
    %mul3A_493 = arith.mulf %ceil3A_491, %mul3A_492 : f32
    %add3A_494 = arith.addf %add3A_473, %mul3A_493 : f32
    %add3A_495 = vector.broadcast %add3A_494 : f32 to vector<32x128xf32>
    %add3A_496 = arith.addf %add3A_495, %add3A_324 : vector<32x128xf32>
    %mul3A_497 = arith.mulf %convert_element_type3A_298, %add3A_496 : vector<32x128xf32>
    %add3A_498 = arith.addf %add3A_477, %mul3A_497 : vector<32x128xf32>
    %add3A_499 = vector.broadcast %add3A_494 : f32 to vector<32x128xf32>
    %add3A_500 = arith.addf %add3A_499, %add3A_328 : vector<32x128xf32>
    %mul3A_501 = arith.mulf %convert_element_type3A_303, %add3A_500 : vector<32x128xf32>
    %add3A_502 = arith.addf %add3A_481, %mul3A_501 : vector<32x128xf32>
    %mul3A_503 = arith.constant 5.120000e+02 : f32
    %mul3A_504 = vector.broadcast %mul3A_503 : f32 to vector<8x128xf32>
    %mul3A_505 = arith.mulf %convert_element_type3A_346, %mul3A_504 : vector<8x128xf32>
    %ge3A_506 = vector.broadcast %add3A_494 : f32 to vector<8x128xf32>
    %ge3A_507 = arith.cmpf oge, %mul3A_505, %ge3A_506 : vector<8x128xf32>
    %convert_element_type3A_508 = arith.extui %ge3A_507 : vector<8x128xi1> to vector<8x128xi32>
    %add3A_509 = arith.addi %add3A_488, %convert_element_type3A_508 : vector<8x128xi32>
    %div3A_510 = arith.constant 5.120000e+02 : f32
    %div3A_511 = arith.divf %add3A_334, %div3A_510 : f32
    %ceil3A_512 = math.ceil %div3A_511 : f32
    %mul3A_513 = arith.constant 5.120000e+02 : f32
    %mul3A_514 = arith.mulf %ceil3A_512, %mul3A_513 : f32
    %add3A_515 = arith.addf %add3A_494, %mul3A_514 : f32
    %convert_element_type3A_516 = arith.fptosi %add3A_498 : vector<32x128xf32> to vector<32x128xi32>
    %swap3A = arith.constant 0 : index
    %swap3A_517 = arith.constant 0 : index
    %swap3A_518 = vector.load %arg3[%swap3A, %swap3A_517] : memref<32x128xi32, #tpu.memory_space<vmem>>, vector<32x128xi32>
    tpu.vector_store %arg3[%swap3A, %swap3A_517], %convert_element_type3A_516 {strides = array<i32>} : memref<32x128xi32, #tpu.memory_space<vmem>>, vector<32x128xi32>,
    %convert_element_type3A_519 = arith.fptosi %add3A_502 : vector<32x128xf32> to vector<32x128xi32>
    %swap3A_520 = arith.constant 0 : index
    %swap3A_521 = arith.constant 0 : index
    %swap3A_522 = vector.load %arg4[%swap3A_520, %swap3A_521] : memref<32x128xi32, #tpu.memory_space<vmem>>, vector<32x128xi32>
    tpu.vector_store %arg4[%swap3A_520, %swap3A_521], %convert_element_type3A_519 {strides = array<i32>} : memref<32x128xi32, #tpu.memory_space<vmem>>, vector<32x128xi32>,
    %div3A_523 = arith.constant 5.120000e+02 : f32
    %div3A_524 = arith.divf %add3A_515, %div3A_523 : f32
    %convert_element_type3A_525 = arith.fptosi %div3A_524 : f32 to i32
    %convert_element_type3A_526 = arith.fptosi %convert_element_type3A_346 : vector<8x128xf32> to vector<8x128xi32>
    %eq3A_527 = arith.constant 24 : i32
    %eq3A_528 = vector.broadcast %eq3A_527 : i32 to vector<8x128xi32>
    %eq3A_529 = arith.cmpi eq, %convert_element_type3A_526, %eq3A_528 : vector<8x128xi32>
    %jit3A = arith.constant 0 : i32
    %jit3A_530 = arith.constant 7 : i32
    %max3A = vector.broadcast %jit3A : i32 to vector<8x128xi32>
    %max3A_531 = arith.maxsi %max3A, %add3A_509 : vector<8x128xi32>
    %min3A = vector.broadcast %jit3A_530 : i32 to vector<8x128xi32>
    %min3A_532 = arith.minsi %min3A, %max3A_531 : vector<8x128xi32>
    %broadcast_in_dim3A_533 = vector.broadcast %convert_element_type3A_525 : i32 to vector<8x128xi32>
    %select_n3A = arith.select %eq3A_529, %broadcast_in_dim3A_533, %min3A_532 : vector<8x128xi1>, vector<8x128xi32>
    %swap3A_534 = arith.constant 0 : index
    %swap3A_535 = arith.constant 0 : index
    %swap3A_536 = vector.load %arg5[%swap3A_534, %swap3A_535] : memref<8x128xi32, #tpu.memory_space<vmem>>, vector<8x128xi32>
    tpu.vector_store %arg5[%swap3A_534, %swap3A_535], %select_n3A {strides = array<i32>} : memref<8x128xi32, #tpu.memory_space<vmem>>, vector<8x128xi32>,
    return
  }
  func.func @transform_0(%arg0: i32) -> (i32, i32) {
    %c0_i32 = arith.constant 0 : i32
    %c0_i32_0 = arith.constant 0 : i32
    %c0_i32_1 = arith.constant 0 : i32
    return %c0_i32, %c0_i32_0 : i32, i32
  }
  func.func @transform_1(%arg0: i32) -> (i32, i32) {
    %c0_i32 = arith.constant 0 : i32
    %c0_i32_0 = arith.constant 0 : i32
    %c0_i32_1 = arith.constant 0 : i32
    return %c0_i32, %c0_i32_0 : i32, i32
  }
  func.func @transform_2(%arg0: i32) -> (i32, i32) {
    %c0_i32 = arith.constant 0 : i32
    %c0_i32_0 = arith.constant 0 : i32
    %c0_i32_1 = arith.constant 0 : i32
    return %c0_i32, %c0_i32_0 : i32, i32
  }
  func.func @transform_3(%arg0: i32) -> (i32, i32) {
    %c0_i32 = arith.constant 0 : i32
    %c0_i32_0 = arith.constant 0 : i32
    %c0_i32_1 = arith.constant 0 : i32
    return %c0_i32, %c0_i32_0 : i32, i32
  }
  func.func @transform_4(%arg0: i32) -> (i32, i32) {
    %c0_i32 = arith.constant 0 : i32
    %c0_i32_0 = arith.constant 0 : i32
    %c0_i32_1 = arith.constant 0 : i32
    return %c0_i32, %c0_i32_0 : i32, i32
  }
}

module attributes {stable_mosaic.version = 14 : i64} {
  func.func @_matmul_body(%arg0: i32, %arg1: memref<25xi32, #tpu.memory_space<smem>>, %arg2: memref<512x512xi32, #tpu.memory_space<vmem>>, %arg3: memref<1x1024x1024xf32, #tpu.memory_space<vmem>>, %arg4: memref<1x1x1024xf32, #tpu.memory_space<vmem>>, %arg5: memref<512x512xi32, #tpu.memory_space<vmem>>, %arg6: memref<1024x1024xbf16, #tpu.memory_space<vmem>>) attributes {dimension_semantics = [#tpu.dimension_semantics<arbitrary>], iteration_bounds = array<i64: 24>, scalar_prefetch = 1 : i64, scratch_operands = 1 : i64, tpu.core_type = #tpu.core_type<tc>, window_params = [{transform_indices = @transform_0, window_bounds = array<i64: 512, 512>}, {transform_indices = @transform_1, window_bounds = array<i64: 1, 1024, 1024>}, {transform_indices = @transform_2, window_bounds = array<i64: 1, 1, 1024>}, {transform_indices = @transform_3, window_bounds = array<i64: 512, 512>}]} {
    %get3A = arith.constant 24 : index
    %get3A_0 = memref.load %arg1[%get3A] : memref<25xi32, #tpu.memory_space<smem>>
    %lt3A = arith.cmpi slt, %arg0, %get3A_0 : i32
    %convert_element_type3A = arith.extui %lt3A : i1 to i32
    %cond3A = arith.constant 0 : i32
    %cond3A_1 = arith.cmpi ne, %convert_element_type3A, %cond3A : i32
    scf.if %cond3A_1 {
      %eq3A = arith.constant 0 : i32
      %eq3A_2 = arith.cmpi eq, %arg0, %eq3A : i32
      %get3A_3 = arith.index_cast %arg0 : i32 to index
      %get3A_4 = memref.load %arg1[%get3A_3] : memref<25xi32, #tpu.memory_space<smem>>
      %sub3A = arith.constant 1 : i32
      %sub3A_5 = arith.subi %arg0, %sub3A : i32
      %get3A_6 = arith.index_cast %sub3A_5 : i32 to index
      %get3A_7 = memref.load %arg1[%get3A_6] : memref<25xi32, #tpu.memory_space<smem>>
      %ne3A = arith.cmpi ne, %get3A_4, %get3A_7 : i32
      %or3A = arith.ori %eq3A_2, %ne3A : i1
      %convert_element_type3A_8 = arith.extui %or3A : i1 to i32
      %cond3A_9 = arith.constant 0 : i32
      %cond3A_10 = arith.cmpi ne, %convert_element_type3A_8, %cond3A_9 : i32
      scf.if %cond3A_10 {
        %get3A_48 = arith.constant 0 : index
        %get3A_49 = arith.constant 0 : index
        %get3A_50 = arith.constant 0 : index
        %get3A_51 = vector.load %arg3[%get3A_48, %get3A_49, %get3A_50] : memref<1x1024x1024xf32, #tpu.memory_space<vmem>>, vector<1x1024x1024xf32>
        %get3A_52 = vector.shape_cast %get3A_51 : vector<1x1024x1024xf32> to vector<1024x1024xf32>
        %convert_element_type3A_53 = arith.truncf %get3A_52 : vector<1024x1024xf32> to vector<1024x1024xbf16>
        %swap3A_54 = arith.constant 0 : index
        %swap3A_55 = arith.constant 0 : index
        %swap3A_56 = vector.load %arg6[%swap3A_54, %swap3A_55] : memref<1024x1024xbf16, #tpu.memory_space<vmem>>, vector<1024x1024xbf16>
        tpu.vector_store %arg6[%swap3A_54, %swap3A_55], %convert_element_type3A_53 {strides = array<i32>} : memref<1024x1024xbf16, #tpu.memory_space<vmem>>, vector<1024x1024xbf16>,
      } else {
      }
      %get3A_11 = arith.constant 0 : index
      %get3A_12 = arith.constant 0 : index
      %get3A_13 = vector.load %arg2[%get3A_11, %get3A_12] : memref<512x512xi32, #tpu.memory_space<vmem>>, vector<512x512xi32>
      %convert_element_type3A_14 = arith.trunci %get3A_13 : vector<512x512xi32> to vector<512x512xi16>
      %bitcast_convert_type3A = tpu.bitcast %convert_element_type3A_14 : vector<512x512xi16> -> vector<512x512xbf16>
      %shift_right_arithmetic3A = arith.constant 16 : i32
      %shift_right_arithmetic3A_15 = vector.broadcast %shift_right_arithmetic3A : i32 to vector<512x512xi32>
      %shift_right_arithmetic3A_16 = arith.shrsi %get3A_13, %shift_right_arithmetic3A_15 : vector<512x512xi32>
      %convert_element_type3A_17 = arith.trunci %shift_right_arithmetic3A_16 : vector<512x512xi32> to vector<512x512xi16>
      %bitcast_convert_type3A_18 = tpu.bitcast %convert_element_type3A_17 : vector<512x512xi16> -> vector<512x512xbf16>
      %get3A_19 = arith.constant 0 : index
      %get3A_20 = arith.constant 0 : index
      %get3A_21 = vector.load %arg6[%get3A_19, %get3A_20] : memref<1024x1024xbf16, #tpu.memory_space<vmem>>, vector<1024x512xbf16>
      %dot_general3A = arith.constant dense<0.000000e+00> : vector<512x1024xf32>
      %dot_general3A_22 = tpu.matmul %bitcast_convert_type3A, %get3A_21, %dot_general3A {dimension_numbers = #tpu.dot_dimension_numbers<[1], [1], [0], [0], [0, 0, 1, 0], [], []>, transpose_lhs_hint = false} : vector<512x512xbf16>, vector<1024x512xbf16>, vector<512x1024xf32> -> vector<512x1024xf32>
      %get3A_23 = arith.constant 0 : index
      %get3A_24 = arith.constant 512 : index
      %get3A_25 = vector.load %arg6[%get3A_23, %get3A_24] : memref<1024x1024xbf16, #tpu.memory_space<vmem>>, vector<1024x512xbf16>
      %dot_general3A_26 = arith.constant dense<0.000000e+00> : vector<512x1024xf32>
      %dot_general3A_27 = tpu.matmul %bitcast_convert_type3A_18, %get3A_25, %dot_general3A_26 {dimension_numbers = #tpu.dot_dimension_numbers<[1], [1], [0], [0], [0, 0, 1, 0], [], []>, transpose_lhs_hint = false} : vector<512x512xbf16>, vector<1024x512xbf16>, vector<512x1024xf32> -> vector<512x1024xf32>
      %add3A = arith.addf %dot_general3A_22, %dot_general3A_27 : vector<512x1024xf32>
      %get3A_28 = arith.constant 0 : index
      %get3A_29 = arith.constant 0 : index
      %get3A_30 = arith.constant 0 : index
      %get3A_31 = vector.load %arg4[%get3A_28, %get3A_29, %get3A_30] : memref<1x1x1024xf32, #tpu.memory_space<vmem>>, vector<1x1x1024xf32>
      %get3A_32 = vector.shape_cast %get3A_31 : vector<1x1x1024xf32> to vector<1x1024xf32>
      %add3A_33 = vector.broadcast %get3A_32 : vector<1x1024xf32> to vector<512x1024xf32>
      %add3A_34 = arith.addf %add3A, %add3A_33 : vector<512x1024xf32>
      %convert_element_type3A_35 = arith.truncf %add3A_34 : vector<512x1024xf32> to vector<512x1024xbf16>
      %slice3A = vector.extract_strided_slice %convert_element_type3A_35 {offsets = [0, 0], sizes = [512, 512], strides = [1, 1]} : vector<512x1024xbf16> to vector<512x512xbf16>
      %bitcast_convert_type3A_36 = tpu.bitcast %slice3A : vector<512x512xbf16> -> vector<512x512xi16>
      %convert_element_type3A_37 = arith.extsi %bitcast_convert_type3A_36 : vector<512x512xi16> to vector<512x512xi32>
      %slice3A_38 = vector.extract_strided_slice %convert_element_type3A_35 {offsets = [0, 512], sizes = [512, 512], strides = [1, 1]} : vector<512x1024xbf16> to vector<512x512xbf16>
      %bitcast_convert_type3A_39 = tpu.bitcast %slice3A_38 : vector<512x512xbf16> -> vector<512x512xi16>
      %convert_element_type3A_40 = arith.extsi %bitcast_convert_type3A_39 : vector<512x512xi16> to vector<512x512xi32>
      %and3A = arith.constant 65535 : i32
      %and3A_41 = vector.broadcast %and3A : i32 to vector<512x512xi32>
      %and3A_42 = arith.andi %convert_element_type3A_37, %and3A_41 : vector<512x512xi32>
      %shift_left3A = arith.constant 16 : i32
      %shift_left3A_43 = vector.broadcast %shift_left3A : i32 to vector<512x512xi32>
      %shift_left3A_44 = arith.shli %convert_element_type3A_40, %shift_left3A_43 : vector<512x512xi32>
      %or3A_45 = arith.ori %and3A_42, %shift_left3A_44 : vector<512x512xi32>
      %swap3A = arith.constant 0 : index
      %swap3A_46 = arith.constant 0 : index
      %swap3A_47 = vector.load %arg5[%swap3A, %swap3A_46] : memref<512x512xi32, #tpu.memory_space<vmem>>, vector<512x512xi32>
      tpu.vector_store %arg5[%swap3A, %swap3A_46], %or3A_45 {strides = array<i32>} : memref<512x512xi32, #tpu.memory_space<vmem>>, vector<512x512xi32>,
    } else {
    }
    return
  }
  func.func @transform_0(%arg0: i32, %arg1: memref<25xi32, #tpu.memory_space<smem>>) -> (i32, i32) {
    %c0_i32 = arith.constant 0 : i32
    %c0_i32_0 = arith.constant 0 : i32
    return %arg0, %c0_i32 : i32, i32
  }
  func.func @transform_1(%arg0: i32, %arg1: memref<25xi32, #tpu.memory_space<smem>>) -> (i32, i32, i32) {
    %get3A = arith.index_cast %arg0 : i32 to index
    %get3A_0 = memref.load %arg1[%get3A] : memref<25xi32, #tpu.memory_space<smem>>
    %c0_i32 = arith.constant 0 : i32
    %c0_i32_1 = arith.constant 0 : i32
    %c0_i32_2 = arith.constant 0 : i32
    return %get3A_0, %c0_i32, %c0_i32_1 : i32, i32, i32
  }
  func.func @transform_2(%arg0: i32, %arg1: memref<25xi32, #tpu.memory_space<smem>>) -> (i32, i32, i32) {
    %get3A = arith.index_cast %arg0 : i32 to index
    %get3A_0 = memref.load %arg1[%get3A] : memref<25xi32, #tpu.memory_space<smem>>
    %c0_i32 = arith.constant 0 : i32
    %c0_i32_1 = arith.constant 0 : i32
    %c0_i32_2 = arith.constant 0 : i32
    return %get3A_0, %c0_i32, %c0_i32_1 : i32, i32, i32
  }
  func.func @transform_3(%arg0: i32, %arg1: memref<25xi32, #tpu.memory_space<smem>>) -> (i32, i32) {
    %c0_i32 = arith.constant 0 : i32
    %c0_i32_0 = arith.constant 0 : i32
    return %arg0, %c0_i32 : i32, i32
  }
}

module attributes {stable_mosaic.version = 14 : i64} {
  func.func @_router_body(%arg0: i32, %arg1: memref<1024x1024xf32, #tpu.memory_space<vmem>>, %arg2: memref<8x1024xf32, #tpu.memory_space<vmem>>, %arg3: memref<1x8xf32, #tpu.memory_space<vmem>>, %arg4: memref<1024x8xi32, #tpu.memory_space<vmem>>, %arg5: memref<1024x1xi32, #tpu.memory_space<vmem>>, %arg6: memref<1024x1xi32, #tpu.memory_space<vmem>>, %arg7: memref<1024x1xf32, #tpu.memory_space<vmem>>, %arg8: memref<1024x1xf32, #tpu.memory_space<vmem>>, %arg9: memref<1024x512xi32, #tpu.memory_space<vmem>>) attributes {dimension_semantics = [#tpu.dimension_semantics<arbitrary>], iteration_bounds = array<i64: 4>, scalar_prefetch = 0 : i64, scratch_operands = 0 : i64, tpu.core_type = #tpu.core_type<tc>, window_params = [{transform_indices = @transform_0, window_bounds = array<i64: 1024, 1024>}, {pipeline_mode = #tpu.pipeline_mode<synchronous>, transform_indices = @transform_1, window_bounds = array<i64: 8, 1024>}, {pipeline_mode = #tpu.pipeline_mode<synchronous>, transform_indices = @transform_2, window_bounds = array<i64: 1, 8>}, {transform_indices = @transform_3, window_bounds = array<i64: 1024, 8>}, {transform_indices = @transform_4, window_bounds = array<i64: 1024, 1>}, {transform_indices = @transform_5, window_bounds = array<i64: 1024, 1>}, {transform_indices = @transform_6, window_bounds = array<i64: 1024, 1>}, {transform_indices = @transform_7, window_bounds = array<i64: 1024, 1>}, {transform_indices = @transform_8, window_bounds = array<i64: 1024, 512>}]} {
    %get3A = arith.constant 0 : index
    %get3A_0 = arith.constant 0 : index
    %get3A_1 = vector.load %arg1[%get3A, %get3A_0] : memref<1024x1024xf32, #tpu.memory_space<vmem>>, vector<1024x1024xf32>
    %get3A_2 = arith.constant 0 : index
    %get3A_3 = arith.constant 0 : index
    %get3A_4 = vector.load %arg2[%get3A_2, %get3A_3] : memref<8x1024xf32, #tpu.memory_space<vmem>>, vector<8x1024xf32>
    %dot_general3A = arith.constant dense<0.000000e+00> : vector<1024x8xf32>
    %dot_general3A_5 = tpu.matmul %get3A_1, %get3A_4, %dot_general3A {dimension_numbers = #tpu.dot_dimension_numbers<[1], [1], [0], [0], [0, 0, 1, 0], [], []>, transpose_lhs_hint = false} : vector<1024x1024xf32>, vector<8x1024xf32>, vector<1024x8xf32> -> vector<1024x8xf32>
    %get3A_6 = arith.constant 0 : index
    %get3A_7 = arith.constant 0 : index
    %get3A_8 = vector.load %arg3[%get3A_6, %get3A_7] : memref<1x8xf32, #tpu.memory_space<vmem>>, vector<1x8xf32>
    %add3A = vector.broadcast %get3A_8 : vector<1x8xf32> to vector<1024x8xf32>
    %add3A_9 = arith.addf %dot_general3A_5, %add3A : vector<1024x8xf32>
    %iota3A = tpu.iota {dimensions = array<i32: 1>} : vector<1024x8xi32>
    %reduce_max3A = arith.constant dense<0xFF800000> : vector<1024xf32>
    %reduce_max3A_10 = vector.multi_reduction <maximumf>, %add3A_9, %reduce_max3A [1] : vector<1024x8xf32> to vector<1024xf32>
    %broadcast_in_dim3A = vector.shape_cast %reduce_max3A_10 : vector<1024xf32> to vector<1024x1xf32>
    %eq3A = vector.broadcast %broadcast_in_dim3A : vector<1024x1xf32> to vector<1024x8xf32>
    %eq3A_11 = arith.cmpf oeq, %add3A_9, %eq3A : vector<1024x8xf32>
    %jit3A = arith.constant 8 : i32
    %broadcast_in_dim3A_12 = vector.broadcast %jit3A : i32 to vector<1024x8xi32>
    %select_n3A = arith.select %eq3A_11, %iota3A, %broadcast_in_dim3A_12 : vector<1024x8xi1>, vector<1024x8xi32>
    %reduce_min3A = arith.constant dense<2147483647> : vector<1024xi32>
    %reduce_min3A_13 = vector.multi_reduction <minsi>, %select_n3A, %reduce_min3A [1] : vector<1024x8xi32> to vector<1024xi32>
    %broadcast_in_dim3A_14 = vector.shape_cast %reduce_min3A_13 : vector<1024xi32> to vector<1024x1xi32>
    %eq3A_15 = vector.broadcast %broadcast_in_dim3A_14 : vector<1024x1xi32> to vector<1024x8xi32>
    %eq3A_16 = arith.cmpi eq, %iota3A, %eq3A_15 : vector<1024x8xi32>
    %jit3A_17 = arith.constant 0xFF800000 : f32
    %broadcast_in_dim3A_18 = vector.broadcast %jit3A_17 : f32 to vector<1024x8xf32>
    %select_n3A_19 = arith.select %eq3A_16, %broadcast_in_dim3A_18, %add3A_9 : vector<1024x8xi1>, vector<1024x8xf32>
    %reduce_max3A_20 = arith.constant dense<0xFF800000> : vector<1024xf32>
    %reduce_max3A_21 = vector.multi_reduction <maximumf>, %select_n3A_19, %reduce_max3A_20 [1] : vector<1024x8xf32> to vector<1024xf32>
    %broadcast_in_dim3A_22 = vector.shape_cast %reduce_max3A_21 : vector<1024xf32> to vector<1024x1xf32>
    %eq3A_23 = vector.broadcast %broadcast_in_dim3A_22 : vector<1024x1xf32> to vector<1024x8xf32>
    %eq3A_24 = arith.cmpf oeq, %select_n3A_19, %eq3A_23 : vector<1024x8xf32>
    %jit3A_25 = arith.constant 8 : i32
    %broadcast_in_dim3A_26 = vector.broadcast %jit3A_25 : i32 to vector<1024x8xi32>
    %select_n3A_27 = arith.select %eq3A_24, %iota3A, %broadcast_in_dim3A_26 : vector<1024x8xi1>, vector<1024x8xi32>
    %reduce_min3A_28 = arith.constant dense<2147483647> : vector<1024xi32>
    %reduce_min3A_29 = vector.multi_reduction <minsi>, %select_n3A_27, %reduce_min3A_28 [1] : vector<1024x8xi32> to vector<1024xi32>
    %broadcast_in_dim3A_30 = vector.shape_cast %reduce_min3A_29 : vector<1024xi32> to vector<1024x1xi32>
    %sub3A = arith.subf %broadcast_in_dim3A_22, %broadcast_in_dim3A : vector<1024x1xf32>
    %exp3A = math.exp %sub3A : vector<1024x1xf32>
    %add3A_31 = arith.constant 1.000000e+00 : f32
    %add3A_32 = vector.broadcast %add3A_31 : f32 to vector<1024x1xf32>
    %add3A_33 = arith.addf %add3A_32, %exp3A : vector<1024x1xf32>
    %div3A = arith.constant 1.000000e+00 : f32
    %div3A_34 = vector.broadcast %div3A : f32 to vector<1024x1xf32>
    %div3A_35 = arith.divf %div3A_34, %add3A_33 : vector<1024x1xf32>
    %div3A_36 = arith.divf %exp3A, %add3A_33 : vector<1024x1xf32>
    %convert_element_type3A = arith.truncf %get3A_1 : vector<1024x1024xf32> to vector<1024x1024xbf16>
    %slice3A = vector.extract_strided_slice %convert_element_type3A {offsets = [0, 0], sizes = [1024, 512], strides = [1, 1]} : vector<1024x1024xbf16> to vector<1024x512xbf16>
    %bitcast_convert_type3A = tpu.bitcast %slice3A : vector<1024x512xbf16> -> vector<1024x512xi16>
    %convert_element_type3A_37 = arith.extsi %bitcast_convert_type3A : vector<1024x512xi16> to vector<1024x512xi32>
    %slice3A_38 = vector.extract_strided_slice %convert_element_type3A {offsets = [0, 512], sizes = [1024, 512], strides = [1, 1]} : vector<1024x1024xbf16> to vector<1024x512xbf16>
    %bitcast_convert_type3A_39 = tpu.bitcast %slice3A_38 : vector<1024x512xbf16> -> vector<1024x512xi16>
    %convert_element_type3A_40 = arith.extsi %bitcast_convert_type3A_39 : vector<1024x512xi16> to vector<1024x512xi32>
    %and3A = arith.constant 65535 : i32
    %and3A_41 = vector.broadcast %and3A : i32 to vector<1024x512xi32>
    %and3A_42 = arith.andi %convert_element_type3A_37, %and3A_41 : vector<1024x512xi32>
    %shift_left3A = arith.constant 16 : i32
    %shift_left3A_43 = vector.broadcast %shift_left3A : i32 to vector<1024x512xi32>
    %shift_left3A_44 = arith.shli %convert_element_type3A_40, %shift_left3A_43 : vector<1024x512xi32>
    %or3A = arith.ori %and3A_42, %shift_left3A_44 : vector<1024x512xi32>
    %swap3A = arith.constant 0 : index
    %swap3A_45 = arith.constant 0 : index
    %swap3A_46 = vector.load %arg9[%swap3A, %swap3A_45] : memref<1024x512xi32, #tpu.memory_space<vmem>>, vector<1024x512xi32>
    tpu.vector_store %arg9[%swap3A, %swap3A_45], %or3A {strides = array<i32>} : memref<1024x512xi32, #tpu.memory_space<vmem>>, vector<1024x512xi32>,
    %broadcast_in_dim3A_47 = arith.constant 0 : i32
    %broadcast_in_dim3A_48 = vector.broadcast %broadcast_in_dim3A_47 : i32 to vector<1024x8xi32>
    %eq3A_49 = arith.constant 0 : i32
    %eq3A_50 = vector.broadcast %eq3A_49 : i32 to vector<1024x8xi32>
    %eq3A_51 = arith.cmpi eq, %iota3A, %eq3A_50 : vector<1024x8xi32>
    %eq3A_52 = arith.constant 1 : i32
    %eq3A_53 = vector.broadcast %eq3A_52 : i32 to vector<1024x8xi32>
    %eq3A_54 = arith.cmpi eq, %iota3A, %eq3A_53 : vector<1024x8xi32>
    %broadcast_in_dim3A_55 = vector.shape_cast %broadcast_in_dim3A_30 : vector<1024x1xi32> to vector<1024x1xi32>
    %broadcast_in_dim3A_56 = vector.broadcast %broadcast_in_dim3A_55 : vector<1024x1xi32> to vector<1024x8xi32>
    %select_n3A_57 = arith.select %eq3A_54, %broadcast_in_dim3A_56, %broadcast_in_dim3A_48 : vector<1024x8xi1>, vector<1024x8xi32>
    %broadcast_in_dim3A_58 = vector.shape_cast %broadcast_in_dim3A_14 : vector<1024x1xi32> to vector<1024x1xi32>
    %broadcast_in_dim3A_59 = vector.broadcast %broadcast_in_dim3A_58 : vector<1024x1xi32> to vector<1024x8xi32>
    %select_n3A_60 = arith.select %eq3A_51, %broadcast_in_dim3A_59, %select_n3A_57 : vector<1024x8xi1>, vector<1024x8xi32>
    %swap3A_61 = arith.constant 0 : index
    %swap3A_62 = arith.constant 0 : index
    %swap3A_63 = vector.load %arg4[%swap3A_61, %swap3A_62] : memref<1024x8xi32, #tpu.memory_space<vmem>>, vector<1024x8xi32>
    tpu.vector_store %arg4[%swap3A_61, %swap3A_62], %select_n3A_60 {strides = array<i32>} : memref<1024x8xi32, #tpu.memory_space<vmem>>, vector<1024x8xi32>,
    %swap3A_64 = arith.constant 0 : index
    %swap3A_65 = arith.constant 0 : index
    %swap3A_66 = vector.load %arg5[%swap3A_64, %swap3A_65] : memref<1024x1xi32, #tpu.memory_space<vmem>>, vector<1024x1xi32>
    tpu.vector_store %arg5[%swap3A_64, %swap3A_65], %broadcast_in_dim3A_14 {strides = array<i32>} : memref<1024x1xi32, #tpu.memory_space<vmem>>, vector<1024x1xi32>,
    %swap3A_67 = arith.constant 0 : index
    %swap3A_68 = arith.constant 0 : index
    %swap3A_69 = vector.load %arg6[%swap3A_67, %swap3A_68] : memref<1024x1xi32, #tpu.memory_space<vmem>>, vector<1024x1xi32>
    tpu.vector_store %arg6[%swap3A_67, %swap3A_68], %broadcast_in_dim3A_30 {strides = array<i32>} : memref<1024x1xi32, #tpu.memory_space<vmem>>, vector<1024x1xi32>,
    %swap3A_70 = arith.constant 0 : index
    %swap3A_71 = arith.constant 0 : index
    %swap3A_72 = vector.load %arg7[%swap3A_70, %swap3A_71] : memref<1024x1xf32, #tpu.memory_space<vmem>>, vector<1024x1xf32>
    tpu.vector_store %arg7[%swap3A_70, %swap3A_71], %div3A_35 {strides = array<i32>} : memref<1024x1xf32, #tpu.memory_space<vmem>>, vector<1024x1xf32>,
    %swap3A_73 = arith.constant 0 : index
    %swap3A_74 = arith.constant 0 : index
    %swap3A_75 = vector.load %arg8[%swap3A_73, %swap3A_74] : memref<1024x1xf32, #tpu.memory_space<vmem>>, vector<1024x1xf32>
    tpu.vector_store %arg8[%swap3A_73, %swap3A_74], %div3A_36 {strides = array<i32>} : memref<1024x1xf32, #tpu.memory_space<vmem>>, vector<1024x1xf32>,
    return
  }
  func.func @transform_0(%arg0: i32) -> (i32, i32) {
    %c0_i32 = arith.constant 0 : i32
    %c0_i32_0 = arith.constant 0 : i32
    return %arg0, %c0_i32 : i32, i32
  }
  func.func @transform_1(%arg0: i32) -> (i32, i32) {
    %c0_i32 = arith.constant 0 : i32
    %c0_i32_0 = arith.constant 0 : i32
    %c0_i32_1 = arith.constant 0 : i32
    return %c0_i32, %c0_i32_0 : i32, i32
  }
  func.func @transform_2(%arg0: i32) -> (i32, i32) {
    %c0_i32 = arith.constant 0 : i32
    %c0_i32_0 = arith.constant 0 : i32
    %c0_i32_1 = arith.constant 0 : i32
    return %c0_i32, %c0_i32_0 : i32, i32
  }
  func.func @transform_3(%arg0: i32) -> (i32, i32) {
    %c0_i32 = arith.constant 0 : i32
    %c0_i32_0 = arith.constant 0 : i32
    return %arg0, %c0_i32 : i32, i32
  }
  func.func @transform_4(%arg0: i32) -> (i32, i32) {
    %c0_i32 = arith.constant 0 : i32
    %c0_i32_0 = arith.constant 0 : i32
    return %arg0, %c0_i32 : i32, i32
  }
  func.func @transform_5(%arg0: i32) -> (i32, i32) {
    %c0_i32 = arith.constant 0 : i32
    %c0_i32_0 = arith.constant 0 : i32
    return %arg0, %c0_i32 : i32, i32
  }
  func.func @transform_6(%arg0: i32) -> (i32, i32) {
    %c0_i32 = arith.constant 0 : i32
    %c0_i32_0 = arith.constant 0 : i32
    return %arg0, %c0_i32 : i32, i32
  }
  func.func @transform_7(%arg0: i32) -> (i32, i32) {
    %c0_i32 = arith.constant 0 : i32
    %c0_i32_0 = arith.constant 0 : i32
    return %arg0, %c0_i32 : i32, i32
  }
  func.func @transform_8(%arg0: i32) -> (i32, i32) {
    %c0_i32 = arith.constant 0 : i32
    %c0_i32_0 = arith.constant 0 : i32
    return %arg0, %c0_i32 : i32, i32
  }
}

module attributes {stable_mosaic.version = 14 : i64} {
  func.func @_combine_body(%arg0: i32, %arg1: memref<1024x1xf32, #tpu.memory_space<vmem>>, %arg2: memref<1024x1xf32, #tpu.memory_space<vmem>>, %arg3: memref<1024x512xi32, #tpu.memory_space<vmem>>, %arg4: memref<1024x512xi32, #tpu.memory_space<vmem>>, %arg5: memref<1024x1024xf32, #tpu.memory_space<vmem>>) attributes {dimension_semantics = [#tpu.dimension_semantics<arbitrary>], iteration_bounds = array<i64: 4>, scalar_prefetch = 0 : i64, scratch_operands = 0 : i64, tpu.core_type = #tpu.core_type<tc>, window_params = [{transform_indices = @transform_0, window_bounds = array<i64: 1024, 1>}, {transform_indices = @transform_1, window_bounds = array<i64: 1024, 1>}, {transform_indices = @transform_2, window_bounds = array<i64: 1024, 512>}, {transform_indices = @transform_3, window_bounds = array<i64: 1024, 512>}, {transform_indices = @transform_4, window_bounds = array<i64: 1024, 1024>}]} {
    %get3A = arith.constant 0 : index
    %get3A_0 = arith.constant 0 : index
    %get3A_1 = vector.load %arg3[%get3A, %get3A_0] : memref<1024x512xi32, #tpu.memory_space<vmem>>, vector<1024x512xi32>
    %get3A_2 = arith.constant 0 : index
    %get3A_3 = arith.constant 0 : index
    %get3A_4 = vector.load %arg4[%get3A_2, %get3A_3] : memref<1024x512xi32, #tpu.memory_space<vmem>>, vector<1024x512xi32>
    %get3A_5 = arith.constant 0 : index
    %get3A_6 = arith.constant 0 : index
    %get3A_7 = vector.load %arg1[%get3A_5, %get3A_6] : memref<1024x1xf32, #tpu.memory_space<vmem>>, vector<1024x1xf32>
    %get3A_8 = arith.constant 0 : index
    %get3A_9 = arith.constant 0 : index
    %get3A_10 = vector.load %arg2[%get3A_8, %get3A_9] : memref<1024x1xf32, #tpu.memory_space<vmem>>, vector<1024x1xf32>
    %convert_element_type3A = arith.trunci %get3A_1 : vector<1024x512xi32> to vector<1024x512xi16>
    %bitcast_convert_type3A = tpu.bitcast %convert_element_type3A : vector<1024x512xi16> -> vector<1024x512xbf16>
    %convert_element_type3A_11 = arith.extf %bitcast_convert_type3A : vector<1024x512xbf16> to vector<1024x512xf32>
    %mul3A = vector.broadcast %get3A_7 : vector<1024x1xf32> to vector<1024x512xf32>
    %mul3A_12 = arith.mulf %mul3A, %convert_element_type3A_11 : vector<1024x512xf32>
    %convert_element_type3A_13 = arith.trunci %get3A_4 : vector<1024x512xi32> to vector<1024x512xi16>
    %bitcast_convert_type3A_14 = tpu.bitcast %convert_element_type3A_13 : vector<1024x512xi16> -> vector<1024x512xbf16>
    %convert_element_type3A_15 = arith.extf %bitcast_convert_type3A_14 : vector<1024x512xbf16> to vector<1024x512xf32>
    %mul3A_16 = vector.broadcast %get3A_10 : vector<1024x1xf32> to vector<1024x512xf32>
    %mul3A_17 = arith.mulf %mul3A_16, %convert_element_type3A_15 : vector<1024x512xf32>
    %add3A = arith.addf %mul3A_12, %mul3A_17 : vector<1024x512xf32>
    %swap3A = arith.constant 0 : index
    %swap3A_18 = arith.constant 0 : index
    %swap3A_19 = vector.load %arg5[%swap3A, %swap3A_18] : memref<1024x1024xf32, #tpu.memory_space<vmem>>, vector<1024x512xf32>
    tpu.vector_store %arg5[%swap3A, %swap3A_18], %add3A {strides = array<i32>} : memref<1024x1024xf32, #tpu.memory_space<vmem>>, vector<1024x512xf32>,
    %shift_right_arithmetic3A = arith.constant 16 : i32
    %shift_right_arithmetic3A_20 = vector.broadcast %shift_right_arithmetic3A : i32 to vector<1024x512xi32>
    %shift_right_arithmetic3A_21 = arith.shrsi %get3A_1, %shift_right_arithmetic3A_20 : vector<1024x512xi32>
    %convert_element_type3A_22 = arith.trunci %shift_right_arithmetic3A_21 : vector<1024x512xi32> to vector<1024x512xi16>
    %bitcast_convert_type3A_23 = tpu.bitcast %convert_element_type3A_22 : vector<1024x512xi16> -> vector<1024x512xbf16>
    %convert_element_type3A_24 = arith.extf %bitcast_convert_type3A_23 : vector<1024x512xbf16> to vector<1024x512xf32>
    %mul3A_25 = vector.broadcast %get3A_7 : vector<1024x1xf32> to vector<1024x512xf32>
    %mul3A_26 = arith.mulf %mul3A_25, %convert_element_type3A_24 : vector<1024x512xf32>
    %shift_right_arithmetic3A_27 = arith.constant 16 : i32
    %shift_right_arithmetic3A_28 = vector.broadcast %shift_right_arithmetic3A_27 : i32 to vector<1024x512xi32>
    %shift_right_arithmetic3A_29 = arith.shrsi %get3A_4, %shift_right_arithmetic3A_28 : vector<1024x512xi32>
    %convert_element_type3A_30 = arith.trunci %shift_right_arithmetic3A_29 : vector<1024x512xi32> to vector<1024x512xi16>
    %bitcast_convert_type3A_31 = tpu.bitcast %convert_element_type3A_30 : vector<1024x512xi16> -> vector<1024x512xbf16>
    %convert_element_type3A_32 = arith.extf %bitcast_convert_type3A_31 : vector<1024x512xbf16> to vector<1024x512xf32>
    %mul3A_33 = vector.broadcast %get3A_10 : vector<1024x1xf32> to vector<1024x512xf32>
    %mul3A_34 = arith.mulf %mul3A_33, %convert_element_type3A_32 : vector<1024x512xf32>
    %add3A_35 = arith.addf %mul3A_26, %mul3A_34 : vector<1024x512xf32>
    %swap3A_36 = arith.constant 0 : index
    %swap3A_37 = arith.constant 512 : index
    %swap3A_38 = vector.load %arg5[%swap3A_36, %swap3A_37] : memref<1024x1024xf32, #tpu.memory_space<vmem>>, vector<1024x512xf32>
    tpu.vector_store %arg5[%swap3A_36, %swap3A_37], %add3A_35 {strides = array<i32>} : memref<1024x1024xf32, #tpu.memory_space<vmem>>, vector<1024x512xf32>,
    return
  }
  func.func @transform_0(%arg0: i32) -> (i32, i32) {
    %c0_i32 = arith.constant 0 : i32
    %c0_i32_0 = arith.constant 0 : i32
    return %arg0, %c0_i32 : i32, i32
  }
  func.func @transform_1(%arg0: i32) -> (i32, i32) {
    %c0_i32 = arith.constant 0 : i32
    %c0_i32_0 = arith.constant 0 : i32
    return %arg0, %c0_i32 : i32, i32
  }
  func.func @transform_2(%arg0: i32) -> (i32, i32) {
    %c0_i32 = arith.constant 0 : i32
    %c0_i32_0 = arith.constant 0 : i32
    return %arg0, %c0_i32 : i32, i32
  }
  func.func @transform_3(%arg0: i32) -> (i32, i32) {
    %c0_i32 = arith.constant 0 : i32
    %c0_i32_0 = arith.constant 0 : i32
    return %arg0, %c0_i32 : i32, i32
  }
  func.func @transform_4(%arg0: i32) -> (i32, i32) {
    %c0_i32 = arith.constant 0 : i32
    %c0_i32_0 = arith.constant 0 : i32
    return %arg0, %c0_i32 : i32, i32
  }
}

</mosaic_0001>

<sc_bundles>
// kernel: _moe.11.cloned.1.call-start
scs
__scs_entry_jumppad:
0x0: {  	(pc) =	sbr.rel $0x88, $3  }
0x1: {  	(tag) =	ssettag $0x0;
	lr =	simm.s32 $0x1  }
0x2: {  	[smem:$0x3F9C] =	sst lr;
	_ =	strace $0xD0000000  }
0x3: {  	_ = 	snop  }
0x4: {  	_ = 	snop  }
0x5: {  	_ = 	snop  }
0x6: {  	_ = 	snop  }
0x7: {  	_ = 	snop  }
__scs_overlays_trampoline_lowered:
0x8: {  	[smem:$0x3FAB] =	sst s0  }
0x9: {  	[smem:$0x3FAC] =	sst s1  }
0xa: {  	[smem:$0x3FAD] =	sst s2  }
0xb: {  	[smem:$0x3FAE] =	sst s3  }
0xc: {  	[smem:$0x3FAF] =	sst s4  }
0xd: {  	[smem:$0x3FB0] =	sst s5  }
0xe: {  	[smem:$0x3FB1] =	sst s6  }
0xf: {  	[smem:$0x3FB2] =	sst s7  }
0x10: {  	[smem:$0x3FB3] =	sst s8  }
0x11: {  	[smem:$0x3FB4] =	sst s9;
	s0 =	simm.s32 @!p0 $0x0  }
0x12: {  	s1 =	sld [smem:$0x3F9A];
	s0 =	simm.s32 @p0 $0x1  }
0x13: {  	[smem:$0x3FB5] =	sst s0;
	s0 =	simm.s32 @!p1 $0x0  }
0x14: {  	s2 =	sld [smem:$0x3F99];
	s0 =	simm.s32 @p1 $0x1  }
0x15: {  	[smem:$0x3FB6] =	sst s0;
	s0 =	simm.s32 @!p2 $0x0  }
0x16: {  	s3 =	sld [smem:$0x3FDB];
	s0 =	simm.s32 @p2 $0x1  }
0x17: {  	s4 =	simm.s32 $0x1BF5;
	[smem:$0x3FB8] =	sst s0  }
0x18: {  	s0 =	sld [smem:$0x3F9B];
	_ =	swait.ge [sflag:s4], $0x0  }
0x19: {  	s7 =	sld [smem:$0x3F9C]  }
0x1a: {  	s8 =	sadd.s32 $0xFFFFE003, lr  }
0x1b: {  	s9 =	sadd.s32 $0xFFFFFEF7, lr;
	s5 =	simm.s32 $0xFFFFFFFF;
	p2 =	slt.u32 s8, $0xFFFFF086  }
0x1c: {  	p1 =	slt.u32 s9, $0xF7A;
	s5 =	simm.s32 @!p2 $0x0  }
0x1d: {  	s5 =	simm.s32 @p1 $0x1;
	p0 =	seq.s32 s7, s2  }
0x1e: {  	s7 =	smul.u32 @!p0 $0xF7A, s2;
	p2 =	seq.s32 @!p0 s5, $0x0  }
0x1f: {  	s9 =	smul.u32 $0xF7A, s1;
	s8 =	simm.s32 @!p0 $0x1BF5;
	p2 =	por !p2, p0  }
0x20: {  	[sflag:s8] =	ssyncset.s32 @!p0 $0xFFFFF086;
	s6 =	sadd.s32 @!p0 s3, s7;
	s7 =	simm.s32 @!p0 $0x108  }
0x21: {  	s3 =	sadd.s32 s3, s9;
	s6 =	sadd.s32 @!p0 $0x88, s6;
	s7 =	simm.s32 @p2 $0x1082  }
0x22: {  	[simem:s7], [sflag:s8] =	dma.local @!p0 [hbm:s6], $0xF7A  }
0x23: {  	s9 =	sor.u32 $0xD0000000, s2;
	s6 =	simm.s32 $0x108;
	_ =	swait.ge @!p0 [sflag:s8], $0x0  }
0x24: {  	s3 =	sadd.s32 $0x88, s3;
	s6 =	simm.s32 @!p1 $0x1082;
	[sflag:s4] =	ssyncset.s32 $0xFFFFF086  }
0x25: {  	[simem:s6], [sflag:s4] =	dma.local [hbm:s3], $0xF7A  }
0x26: {  	[smem:$0x3F9C] =	sst s1;
	(tag) =	ssettag s2;
	_ =	strace s9  }
0x27: {  	s1 =	sld [smem:$0x3FAC]  }
0x28: {  	s2 =	sld [smem:$0x3FAD]  }
0x29: {  	s4 =	sld [smem:$0x3FAF]  }
0x2a: {  	p0 =	seq.s32 s5, $0x0;
	s5 =	sld [smem:$0x3FB0]  }
0x2b: {  	s6 =	sld [smem:$0x3FB1]  }
0x2c: {  	s7 =	sld [smem:$0x3FB2]  }
0x2d: {  	s3 =	simm.s32 $0x108;
	s8 =	sld [smem:$0x3FB3]  }
0x2e: {  	s3 =	simm.s32 @!p0 $0x1082;
	s9 =	sld [smem:$0x3FB4]  }
0x2f: {  	lr =	sadd.s32 s0, s3;
	s0 =	sld [smem:$0x3FAB]  }
0x30: {  	s3 =	sld [smem:$0x3FAE]  }
0x31: {  	[smem:$0x3FB7] =	sst s10  }
0x32: {  	s10 =	sld [smem:$0x3FB5];
	_ =	sdelay $0x3  }
0x33: {  	p0 =	seq.s32 s10, $0x1;
	s10 =	sld [smem:$0x3FB7];
	_ =	sdelay $0x3  }
0x34: {  	[smem:$0x3FB7] =	sst s10  }
0x35: {  	s10 =	sld [smem:$0x3FB6];
	_ =	sdelay $0x3  }
0x36: {  	p1 =	seq.s32 s10, $0x1;
	s10 =	sld [smem:$0x3FB7];
	_ =	sdelay $0x3  }
0x37: {  	[smem:$0x3FB7] =	sst s10  }
0x38: {  	s10 =	sld [smem:$0x3FB8]  }
0x39: {  	_ = 	snop;
	(pc) =	sbr.ind lr, $3  }
0x3a: {  	_ = 	snop  }
0x3b: {  	_ = 	snop  }
0x3c: {  	p2 =	seq.s32 s10, $0x1;
	s10 =	sld [smem:$0x3FB7]  }
0x3d: {  	_ =	shalt  }
0x3e: {  	_ =	shalt  }
0x3f: {  	_ =	shalt  }
0x40: {  	_ =	shalt  }
0x41: {  	_ =	shalt  }
0x42: {  	_ =	shalt  }
0x43: {  	_ =	shalt  }
0x44: {  	_ =	shalt  }
0x45: {  	_ =	shalt  }
0x46: {  	_ =	shalt  }
0x47: {  	_ =	shalt  }
0x48: {  	_ =	shalt  }
0x49: {  	_ =	shalt  }
0x4a: {  	_ =	shalt  }
0x4b: {  	_ =	shalt  }
0x4c: {  	_ =	shalt  }
0x4d: {  	_ =	shalt  }
0x4e: {  	_ =	shalt  }
0x4f: {  	_ =	shalt  }
0x50: {  	_ =	shalt  }
0x51: {  	_ =	shalt  }
0x52: {  	_ =	shalt  }
0x53: {  	_ =	shalt  }
0x54: {  	_ =	shalt  }
0x55: {  	_ =	shalt  }
0x56: {  	_ =	shalt  }
0x57: {  	_ =	shalt  }
0x58: {  	_ =	shalt  }
0x59: {  	_ =	shalt  }
0x5a: {  	_ =	shalt  }
0x5b: {  	_ =	shalt  }
0x5c: {  	_ =	shalt  }
0x5d: {  	_ =	shalt  }
0x5e: {  	_ =	shalt  }
0x5f: {  	_ =	shalt  }
0x60: {  	_ =	shalt  }
0x61: {  	_ =	shalt  }
0x62: {  	_ =	shalt  }
0x63: {  	_ =	shalt  }
0x64: {  	_ =	shalt  }
0x65: {  	_ =	shalt  }
0x66: {  	_ =	shalt  }
0x67: {  	_ =	shalt  }
0x68: {  	_ =	shalt  }
0x69: {  	_ =	shalt  }
0x6a: {  	_ =	shalt  }
0x6b: {  	_ =	shalt  }
0x6c: {  	_ =	shalt  }
0x6d: {  	_ =	shalt  }
0x6e: {  	_ =	shalt  }
0x6f: {  	_ =	shalt  }
0x70: {  	_ =	shalt  }
0x71: {  	_ =	shalt  }
0x72: {  	_ =	shalt  }
0x73: {  	_ =	shalt  }
0x74: {  	_ =	shalt  }
0x75: {  	_ =	shalt  }
0x76: {  	_ =	shalt  }
0x77: {  	_ =	shalt  }
0x78: {  	_ =	shalt  }
0x79: {  	_ =	shalt  }
0x7a: {  	_ =	shalt  }
0x7b: {  	_ =	shalt  }
0x7c: {  	_ =	shalt  }
0x7d: {  	_ =	shalt  }
0x7e: {  	_ =	shalt  }
0x7f: {  	_ =	shalt  }
0x80: {  	_ =	shalt  }
0x81: {  	_ =	shalt  }
0x82: {  	_ =	shalt  }
0x83: {  	_ =	shalt  }
0x84: {  	_ =	shalt  }
0x85: {  	_ =	shalt  }
0x86: {  	_ =	shalt  }
0x87: {  	_ =	shalt  }
.Lfunc_end0:
.L_simem_size_0:
called_computation.1_lowered:
.L_overlay_start_0:
0x88: {  	s2 =	sld [smem:$0x3FD9]  }
0x89: {  	s3 =	sld [smem:$0x3FFE];
	_ =	sdelay $0x1  }
0x8a: {  	s1 =	srdreg.scid  }
0x8b: {  	s0 =	sand.u32 $0x1, s1  }
0x8c: {  	s14 =	sshll.u32 s0, $0xA;
	s2 =	sadd.s32 s3, s2  }
0x8d: {  	s2 =	sadd.s32 s2, s14  }
0x8e: {  	[smem:$0x3FC3] =	sst s2  }
0x8f: {  	_ = 	snop  }
0x90: {  	s2 =	sld [smem:$0x3FD0];
	_ =	sdelay $0x2  }
0x91: {  	s15 =	simm.s32 $0xA;
	s4 =	simm.s32 $0x10  }
0x92: {  	[smem:s4], [sflag:s15] =	dma.local [hbm:s2], $0x1  }
0x93: {  	_ =	swait.eq [sflag:s15], $0x1  }
0x94: {  	[sflag:s15] =	ssyncset.done $0x0  }
0x95: {  	[sflag:s15] =	ssyncadd.s32 $0xFFFFFFFF  }
0x96: {  	s16 =	sld [smem:$0x10];
	(tm) =	ssettm $0x1  }
0x97: {  	s17 =	sld [smem:$0x3FFB];
	_ =	sdelay $0x3  }
0x98: {  	_ =	strace s17  }
0x99: {  	s3 =	sld [smem:$0x3FFC];
	_ =	sdelay $0x3  }
0x9a: {  	_ =	strace s3  }
0x9b: {  	s3 =	sld [smem:$0x3FFD];
	_ =	sdelay $0x3  }
0x9c: {  	_ =	strace s3  }
0x9d: {  	_ =	strace $0x8FFFFFFF  }
0x9e: {  	s18 =	sld [smem:$0x3FDB];
	_ =	sdelay $0x1  }
0x9f: {  	s19 =	simm.s32 $_scs_section_size  }
0xa0: {  	s5 =	simm.s32 $_size__tile_overlayer_lowered;
	s6 =	simm.s32 $_tile_overlayer_lowered  }
0xa1: {  	s22 =	simm.s32 $0x1BFF;
	s21 =	sshll.u32 s6, $0x1;
	s3 =	sadd.s32 s19, s18  }
0xa2: {  	s7 =	simm.s32 $0x0;
	s20 =	sshll.u32 s5, $0x1;
	s5 =	sadd.s32 s21, s3  }
0xa3: {  	[timem:s7], [sflag:s22] =	dma.local [hbm:s5], s20  }
0xa4: {  	_ =	swait.ge [sflag:s22], s20  }
0xa5: {  	s4 =	ssub.s32 $0x0, s20;
	[sflag:s22] =	ssyncset.done $0x0  }
0xa6: {  	[sflag:s22] =	ssyncadd.s32 s4;
	_ =	sdelay $0x1  }
0xa7: {  	s23 =	simm.s32 $0x1B8B  }
0xa8: {  	_ =	swait.ge [sflag:s23], $0x1  }
0xa9: {  	[sflag:s23] =	ssyncset.done $0x0  }
0xaa: {  	s25 =	simm.s32 $0x1B8E;
	s24 =	sld [smem:$0x3FFE];
	[sflag:s23] =	ssyncadd.s32 $0xFFFFFFFF  }
0xab: {  	s26 =	simm.s32 $execute0_lowered;
	[smem:$0x3FD2] =	sst s25  }
0xac: {  	s5 =	sshll.u32 s26, $0x1;
	_ =	strace $0x80000049;
	[dreg:$0x1] =	wrdreg $0xFFFFFFFF  }
0xad: {  	s28 =	simm.s32 $_size_execute0_lowered;
	s3 =	sadd.s32 s3, s5;
	[dreg:$0x0] =	wrdreg $0x0  }
0xae: {  	s5 =	sshll.u32 s28, $0x1;
	[dreg:$0x2] =	wrdreg s3  }
0xaf: {  	[dreg:$0x3] =	wrdreg s5  }
0xb0: {  	[dreg:$0x4] =	wrdreg $0xC0  }
0xb1: {  	_ =	task [dreg:s7], $0x5FFFF  }
0xb2: {  	[dreg:$0x1] =	wrdreg $0xFFFFFFFF  }
0xb3: {  	[dreg:$0x0] =	wrdreg $0x60  }
0xb4: {  	[dreg:$0x2] =	wrdreg s24  }
0xb5: {  	[dreg:$0x3] =	wrdreg s16  }
0xb6: {  	[dreg:$0x4] =	wrdreg $0x9  }
0xb7: {  	_ =	task.clear_ibuf [dreg:s7], $0x5FFFF;
	_ =	strace $0x90000049  }
0xb8: {  	s29 =	simm.s32 $0x9;
	_ =	strace $0x8000004B  }
0xb9: {  	_ =	swait.ge [sflag:s29], $0x1  }
0xba: {  	[sflag:s29] =	ssyncadd.s32 $0xFFFFFFFF  }
0xbb: {  	_ =	strace $0x9000004B  }
0xbc: {  	_ =	sfence  }
0xbd: {  	s30 =	sld [smem:$0x0];
	_ =	sdelay $0x2  }
0xbe: {  	s31 =	sshll.u32 s1, $0xD;
	s1 =	sshrl.u32 s1, $0x2  }
0xbf: {  	s3 =	sand.u32 $0x4000, s31;
	s1 =	sadd.s32 s1, s30  }
0xc0: {  	s0 =	sor.u32 s3, s0;
	s1 =	sshll.u32 s1, $0x11  }
0xc1: {  	s0 =	sor.u32 s1, s0  }
0xc2: {  	s0 =	sadd.s32 $0x8F2B, s0  }
0xc3: {  	[sflag:s0] =	ssyncadd.remote.s32 $0x1  }
0xc4: {  	_ =	sfence.sel $0xFFFF  }
0xc5: {  	[dreg:$0x0] =	wrdreg $0xFFFFFFFF;
	(pc) =	sbr.abs _section_cstart, $3  }
0xc6: {  	[dreg:$0x1] =	wrdreg $0xFFFFFFFF  }
0xc7: {  	_ =	task.clear_ibuf [dreg:s7], $0x2FFFF;
	_ =	strace $0x9FFFFFFF  }
0xc8: {  	(tm) =	ssettm $0x7FFFFFFF  }
0xc9: {  	_ =	shalt  }
tec
execute0_lowered:
.L_overlay_start_1:
0x0: {  	(tag) =	ssettag $0x1  }
0x1: {  	s0 =	srdreg.scid;
	s1 =	rddreg [dreg:$0x0]  }
0x2: {  	s2 =	stileid.u32;
	s4 =	rddreg [dreg:$0x1]  }
0x3: {  	s26 =	simm.s32 $0x80;
	s16 =	simm.s32 $0x4;
	s17 =	simm.s32 $0x5  }
0x4: {  	s21 =	simm.s32 $0x1900;
	s22 =	simm.s32 $0x2100;
	s28 =	simm.s32 $0x3900  }
0x5: {  	s29 =	simm.s32 $0x4100;
	s30 =	simm.s32 $0x4900;
	s31 =	simm.s32 $0x5100  }
0x6: {  	s9 =	simm.s32 $0x7100;
	s10 =	simm.s32 $0x7900;
	s15 =	simm.s32 $0x2  }
0x7: {  	s11 =	simm.s32 $0x8900;
	s12 =	simm.s32 $0x9100;
	s13 =	simm.s32 $0x9900  }
0x8: {  	s14 =	simm.s32 $0xA100;
	s0 =	sand.u32 $0x1, s0;
	s3 =	sshll.u32 s2, $0x8  }
0x9: {  	s2 =	simm.s32 $0x0;
	s7 =	sadd.s32 $0x1A00, s1;
	s5 =	sshll.u32 s0, $0x7  }
0xa: {  	[smem:$0x7FF] =	sst s2;
	s0 =	ssub.s32 $0x2, s0;
	s5 =	sor.u32 s5, s3  }
0xb: {  	_ =	strace $0x8000004A;
	s25 =	sshrl.u32 s0, $0x1;
	[dreg:$0x9] =	wrdreg s26  }
0xc: {  	s26 =	simm.s32 $0x3100;
	s3 =	sshrl.u32 s5, $0x3;
	s5 =	sshll.u32 s5, $0x6  }
0xd: {  	s0 =	ssub.s32 s0, s25;
	s25 =	simm.s32 $0x2900;
	s23 =	sadd.s32 s4, s5  }
0xe: {  	s6 =	sadd.s32 s3, s1;
	s24 =	sadd.s32 s7, s5;
	[dreg:$0x5] =	wrdreg s23  }
0xf: {  	s3 =	sadd.s32 $0xC1A00, s1;
	s8 =	sadd.s32 $0x1600, s6;
	[dreg:$0x6] =	wrdreg s24  }
0x10: {  	s5 =	sor.u32 $0x1000, s5;
	s6 =	sadd.s32 $0x1800, s6;
	[dreg:$0x3] =	wrdreg s8  }
0x11: {  	s4 =	sadd.s32 s4, s5;
	s5 =	sadd.s32 s7, s5;
	[dreg:$0x4] =	wrdreg s6  }
0x12: {  	v2 =	vlaneseq.u32;
	s7 =	simm.s32 $0x3;
	s23 =	simm.s32 $0xB100;
	[dreg:$0x7] =	wrdreg s4  }
0x13: {  	vm0 =	vmmov $0xffff;
	v1 =	vshrl.u32 v2, $0x3;
	s4 =	sadd.s32 $0xC1B00, s1;
	[dreg:$0x8] =	wrdreg s5;
	s5 =	smax.u32 s0, $0x1  }
0x14: {  	v0 =	vand.u32 $0x7, v2;
	v2 =	vor.u32 $0x8, v2;
	v1 =	vmul.u32 $0x8, v1;
	s1 =	simm.s32 $0x5900;
	s8 =	simm.s32 $0x6900;
	s6 =	simm.s32 $0x8100  }
.LBB2_1:
0x15: {  	s18 =	rddreg [dreg:$0x3]  }
0x16: {  	s19 =	rddreg [dreg:$0x4]  }
0x17: {  	[tilespmem:s2], [sflag:$0x1] =	stream.linear.gather [hbm4b:s18+s2], $0x80, $0x38;
	[tilespmem:$0x10100] =	vst v63  }
0x18: {  	s20 =	rddreg [dreg:$0x9];
	s0 =	simm.s32 $0x1  }
0x19: {  	[tilespmem:s20], [sflag:$0x1] =	stream.linear.gather [hbm4b:s19+s2], $0x80, $0x38;
	[tilespmem:$0x10100] =	vst v63  }
0x1a: {  	_ =	swait.ge [sflag:s0], $0x80  }
0x1b: {  	[sflag:s0] =	ssyncset.done $0x0  }
0x1c: {  	[sflag:s0] =	ssyncadd.s32 $0xFFFFFF80  }
0x1d: {  	_ =	swait.ge [sflag:s0], $0x80  }
0x1e: {  	[sflag:s0] =	ssyncset.done $0x0  }
0x1f: {  	[sflag:s0] =	ssyncadd.s32 $0xFFFFFF80  }
0x20: {  	v3 =	vld [tilespmem:$0x0];
	_ =	sdelay $0x4  }
0x21: {  	v4 =	vshll.u32 v3, $0x2  }
0x22: {  	v3 =	vand.u32 $0x7, v3;
	v4 =	vand.u32 $0xFFFFFFE0, v4  }
0x23: {  	v3 =	vor.u32 v3, v4  }
0x24: {  	v4 =	vperm.xlane v3, v0;
	_ =	sdelay $0x1  }
0x25: {  	v4 =	vadd.s32 v1, v4;
	_ =	sdelay $0x1  }
0x26: {  	v3 =	vperm.xlane v3, v2;
	_ =	sdelay $0x1  }
0x27: {  	s20 =	simm.s32 $0x100;
	v3 =	vadd.s32 v1, v3  }
0x28: {  	[tilespmem:s20], [sflag:$0x2] =	stream.indirect_vreg.gather [hbm4b:s3+s2], $0x80, v4, vm0, $0xb8;
	[tilespmem:$0x10100] =	vst v63  }
0x29: {  	s19 =	simm.s32 $0x900  }
0x2a: {  	[tilespmem:s19], [sflag:$0x2] =	stream.indirect_vreg.gather [hbm4b:s4+s2], $0x80, v4, vm0, $0xb8;
	[tilespmem:$0x10100] =	vst v63  }
0x2b: {  	s20 =	simm.s32 $0x1100  }
0x2c: {  	[tilespmem:s20], [sflag:$0x2] =	stream.indirect_vreg.gather [hbm4b:s3+s2], $0x80, v3, vm0, $0xb8;
	[tilespmem:$0x10100] =	vst v63  }
0x2d: {  	_ = 	snop  }
0x2e: {  	[tilespmem:s21], [sflag:$0x2] =	stream.indirect_vreg.gather [hbm4b:s4+s2], $0x80, v3, vm0, $0xb8;
	[tilespmem:$0x10100] =	vst v63  }
0x2f: {  	v3 =	vld [tilespmem:$0x10];
	_ =	sdelay $0x4  }
0x30: {  	v49 =	vshll.u32 v3, $0x2  }
0x31: {  	v3 =	vand.u32 $0x7, v3;
	v4 =	vand.u32 $0xFFFFFFE0, v49  }
0x32: {  	v3 =	vor.u32 v3, v4  }
0x33: {  	v4 =	vperm.xlane v3, v0;
	_ =	sdelay $0x1  }
0x34: {  	v4 =	vadd.s32 v1, v4;
	_ =	sdelay $0x1  }
0x35: {  	v3 =	vperm.xlane v3, v2;
	_ =	sdelay $0x1  }
0x36: {  	v3 =	vadd.s32 v1, v3  }
0x37: {  	[tilespmem:s22], [sflag:$0x2] =	stream.indirect_vreg.gather [hbm4b:s3+s2], $0x80, v4, vm0, $0xb8;
	[tilespmem:$0x10100] =	vst v63  }
0x38: {  	_ = 	snop  }
0x39: {  	[tilespmem:s25], [sflag:$0x2] =	stream.indirect_vreg.gather [hbm4b:s4+s2], $0x80, v4, vm0, $0xb8;
	[tilespmem:$0x10100] =	vst v63  }
0x3a: {  	_ = 	snop  }
0x3b: {  	[tilespmem:s26], [sflag:$0x2] =	stream.indirect_vreg.gather [hbm4b:s3+s2], $0x80, v3, vm0, $0xb8;
	[tilespmem:$0x10100] =	vst v63  }
0x3c: {  	_ = 	snop  }
0x3d: {  	[tilespmem:s28], [sflag:$0x2] =	stream.indirect_vreg.gather [hbm4b:s4+s2], $0x80, v3, vm0, $0xb8;
	[tilespmem:$0x10100] =	vst v63  }
0x3e: {  	v3 =	vld [tilespmem:$0x20];
	_ =	sdelay $0x4  }
0x3f: {  	v50 =	vshll.u32 v3, $0x2  }
0x40: {  	v3 =	vand.u32 $0x7, v3;
	v4 =	vand.u32 $0xFFFFFFE0, v50  }
0x41: {  	v3 =	vor.u32 v3, v4  }
0x42: {  	v4 =	vperm.xlane v3, v0;
	_ =	sdelay $0x1  }
0x43: {  	v4 =	vadd.s32 v1, v4;
	_ =	sdelay $0x1  }
0x44: {  	v3 =	vperm.xlane v3, v2;
	_ =	sdelay $0x1  }
0x45: {  	v3 =	vadd.s32 v1, v3  }
0x46: {  	[tilespmem:s29], [sflag:$0x2] =	stream.indirect_vreg.gather [hbm4b:s3+s2], $0x80, v4, vm0, $0xb8;
	[tilespmem:$0x10100] =	vst v63  }
0x47: {  	_ = 	snop  }
0x48: {  	[tilespmem:s30], [sflag:$0x2] =	stream.indirect_vreg.gather [hbm4b:s4+s2], $0x80, v4, vm0, $0xb8;
	[tilespmem:$0x10100] =	vst v63  }
0x49: {  	_ = 	snop  }
0x4a: {  	[tilespmem:s31], [sflag:$0x2] =	stream.indirect_vreg.gather [hbm4b:s3+s2], $0x80, v3, vm0, $0xb8;
	[tilespmem:$0x10100] =	vst v63  }
0x4b: {  	_ = 	snop  }
0x4c: {  	[tilespmem:s1], [sflag:$0x2] =	stream.indirect_vreg.gather [hbm4b:s4+s2], $0x80, v3, vm0, $0xb8;
	[tilespmem:$0x10100] =	vst v63  }
0x4d: {  	v3 =	vld [tilespmem:$0x30];
	_ =	sdelay $0x4  }
0x4e: {  	v51 =	vshll.u32 v3, $0x2  }
0x4f: {  	v3 =	vand.u32 $0x7, v3;
	v4 =	vand.u32 $0xFFFFFFE0, v51  }
0x50: {  	v3 =	vor.u32 v3, v4  }
0x51: {  	v4 =	vperm.xlane v3, v0;
	_ =	sdelay $0x1  }
0x52: {  	v4 =	vadd.s32 v1, v4;
	_ =	sdelay $0x1  }
0x53: {  	v3 =	vperm.xlane v3, v2;
	_ =	sdelay $0x1  }
0x54: {  	s0 =	simm.s32 $0x6100;
	v3 =	vadd.s32 v1, v3  }
0x55: {  	[tilespmem:s0], [sflag:$0x2] =	stream.indirect_vreg.gather [hbm4b:s3+s2], $0x80, v4, vm0, $0xb8;
	[tilespmem:$0x10100] =	vst v63  }
0x56: {  	_ = 	snop  }
0x57: {  	[tilespmem:s8], [sflag:$0x2] =	stream.indirect_vreg.gather [hbm4b:s4+s2], $0x80, v4, vm0, $0xb8;
	[tilespmem:$0x10100] =	vst v63  }
0x58: {  	_ = 	snop  }
0x59: {  	[tilespmem:s9], [sflag:$0x2] =	stream.indirect_vreg.gather [hbm4b:s3+s2], $0x80, v3, vm0, $0xb8;
	[tilespmem:$0x10100] =	vst v63  }
0x5a: {  	_ = 	snop  }
0x5b: {  	[tilespmem:s10], [sflag:$0x2] =	stream.indirect_vreg.gather [hbm4b:s4+s2], $0x80, v3, vm0, $0xb8;
	[tilespmem:$0x10100] =	vst v63  }
0x5c: {  	_ =	swait.ge [sflag:s15], $0x8000  }
0x5d: {  	[sflag:s15] =	ssyncset.done $0x0  }
0x5e: {  	[sflag:s15] =	ssyncadd.s32 $0xFFFF8000  }
0x5f: {  	v3 =	vld [tilespmem:$0x80];
	_ =	sdelay $0x4  }
0x60: {  	v52 =	vshll.u32 v3, $0x2  }
0x61: {  	v3 =	vand.u32 $0x7, v3;
	v4 =	vand.u32 $0xFFFFFFE0, v52  }
0x62: {  	v3 =	vor.u32 v3, v4  }
0x63: {  	v4 =	vperm.xlane v3, v0;
	_ =	sdelay $0x1  }
0x64: {  	v4 =	vadd.s32 v1, v4;
	_ =	sdelay $0x1  }
0x65: {  	v3 =	vperm.xlane v3, v2;
	_ =	sdelay $0x1  }
0x66: {  	v3 =	vadd.s32 v1, v3  }
0x67: {  	[tilespmem:s6], [sflag:$0x3] =	stream.indirect_vreg.gather [hbm4b:s3+s2], $0x80, v4, vm0, $0xb8;
	[tilespmem:$0x10100] =	vst v63  }
0x68: {  	_ = 	snop  }
0x69: {  	[tilespmem:s11], [sflag:$0x3] =	stream.indirect_vreg.gather [hbm4b:s4+s2], $0x80, v4, vm0, $0xb8;
	[tilespmem:$0x10100] =	vst v63  }
0x6a: {  	_ = 	snop  }
0x6b: {  	[tilespmem:s12], [sflag:$0x3] =	stream.indirect_vreg.gather [hbm4b:s3+s2], $0x80, v3, vm0, $0xb8;
	[tilespmem:$0x10100] =	vst v63  }
0x6c: {  	_ = 	snop  }
0x6d: {  	[tilespmem:s13], [sflag:$0x3] =	stream.indirect_vreg.gather [hbm4b:s4+s2], $0x80, v3, vm0, $0xb8;
	[tilespmem:$0x10100] =	vst v63  }
0x6e: {  	v3 =	vld [tilespmem:$0x90];
	_ =	sdelay $0x4  }
0x6f: {  	v53 =	vshll.u32 v3, $0x2  }
0x70: {  	v3 =	vand.u32 $0x7, v3;
	v4 =	vand.u32 $0xFFFFFFE0, v53  }
0x71: {  	v3 =	vor.u32 v3, v4  }
0x72: {  	v4 =	vperm.xlane v3, v0;
	_ =	sdelay $0x1  }
0x73: {  	v4 =	vadd.s32 v1, v4;
	_ =	sdelay $0x1  }
0x74: {  	v3 =	vperm.xlane v3, v2;
	_ =	sdelay $0x1  }
0x75: {  	v3 =	vadd.s32 v1, v3  }
0x76: {  	[tilespmem:s14], [sflag:$0x3] =	stream.indirect_vreg.gather [hbm4b:s3+s2], $0x80, v4, vm0, $0xb8;
	[tilespmem:$0x10100] =	vst v63  }
0x77: {  	s24 =	simm.s32 $0xA900  }
0x78: {  	[tilespmem:s24], [sflag:$0x3] =	stream.indirect_vreg.gather [hbm4b:s4+s2], $0x80, v4, vm0, $0xb8;
	[tilespmem:$0x10100] =	vst v63  }
0x79: {  	_ = 	snop  }
0x7a: {  	[tilespmem:s23], [sflag:$0x3] =	stream.indirect_vreg.gather [hbm4b:s3+s2], $0x80, v3, vm0, $0xb8;
	[tilespmem:$0x10100] =	vst v63  }
0x7b: {  	s24 =	simm.s32 $0xB900  }
0x7c: {  	[tilespmem:s24], [sflag:$0x3] =	stream.indirect_vreg.gather [hbm4b:s4+s2], $0x80, v3, vm0, $0xb8;
	[tilespmem:$0x10100] =	vst v63  }
0x7d: {  	v3 =	vld [tilespmem:$0xA0];
	_ =	sdelay $0x4  }
0x7e: {  	v54 =	vshll.u32 v3, $0x2  }
0x7f: {  	v3 =	vand.u32 $0x7, v3;
	v4 =	vand.u32 $0xFFFFFFE0, v54  }
0x80: {  	v3 =	vor.u32 v3, v4  }
0x81: {  	v4 =	vperm.xlane v3, v0;
	_ =	sdelay $0x1  }
0x82: {  	v4 =	vadd.s32 v1, v4;
	_ =	sdelay $0x1  }
0x83: {  	v3 =	vperm.xlane v3, v2;
	_ =	sdelay $0x1  }
0x84: {  	s24 =	simm.s32 $0xC100;
	v3 =	vadd.s32 v1, v3  }
0x85: {  	[tilespmem:s24], [sflag:$0x3] =	stream.indirect_vreg.gather [hbm4b:s3+s2], $0x80, v4, vm0, $0xb8;
	[tilespmem:$0x10100] =	vst v63  }
0x86: {  	s24 =	simm.s32 $0xC900  }
0x87: {  	[tilespmem:s24], [sflag:$0x3] =	stream.indirect_vreg.gather [hbm4b:s4+s2], $0x80, v4, vm0, $0xb8;
	[tilespmem:$0x10100] =	vst v63  }
0x88: {  	s24 =	simm.s32 $0xD100  }
0x89: {  	[tilespmem:s24], [sflag:$0x3] =	stream.indirect_vreg.gather [hbm4b:s3+s2], $0x80, v3, vm0, $0xb8;
	[tilespmem:$0x10100] =	vst v63  }
0x8a: {  	s24 =	simm.s32 $0xD900  }
0x8b: {  	[tilespmem:s24], [sflag:$0x3] =	stream.indirect_vreg.gather [hbm4b:s4+s2], $0x80, v3, vm0, $0xb8;
	[tilespmem:$0x10100] =	vst v63  }
0x8c: {  	v3 =	vld [tilespmem:$0xB0];
	_ =	sdelay $0x4  }
0x8d: {  	v55 =	vshll.u32 v3, $0x2  }
0x8e: {  	v3 =	vand.u32 $0x7, v3;
	v4 =	vand.u32 $0xFFFFFFE0, v55  }
0x8f: {  	v3 =	vor.u32 v3, v4  }
0x90: {  	v4 =	vperm.xlane v3, v0;
	_ =	sdelay $0x1  }
0x91: {  	v4 =	vadd.s32 v1, v4;
	_ =	sdelay $0x1  }
0x92: {  	v3 =	vperm.xlane v3, v2;
	_ =	sdelay $0x1  }
0x93: {  	s24 =	simm.s32 $0xE100;
	v3 =	vadd.s32 v1, v3  }
0x94: {  	[tilespmem:s24], [sflag:$0x3] =	stream.indirect_vreg.gather [hbm4b:s3+s2], $0x80, v4, vm0, $0xb8;
	[tilespmem:$0x10100] =	vst v63  }
0x95: {  	s24 =	simm.s32 $0xE900  }
0x96: {  	[tilespmem:s24], [sflag:$0x3] =	stream.indirect_vreg.gather [hbm4b:s4+s2], $0x80, v4, vm0, $0xb8;
	[tilespmem:$0x10100] =	vst v63  }
0x97: {  	s24 =	simm.s32 $0xF100  }
0x98: {  	[tilespmem:s24], [sflag:$0x3] =	stream.indirect_vreg.gather [hbm4b:s3+s2], $0x80, v3, vm0, $0xb8;
	[tilespmem:$0x10100] =	vst v63  }
0x99: {  	s24 =	simm.s32 $0xF900  }
0x9a: {  	[tilespmem:s24], [sflag:$0x3] =	stream.indirect_vreg.gather [hbm4b:s4+s2], $0x80, v3, vm0, $0xb8;
	[tilespmem:$0x10100] =	vst v63  }
0x9b: {  	s18 =	rddreg [dreg:$0x5];
	s24 =	simm.s32 $0x100  }
0x9c: {  	[hbm4b:s18+s2] =	stream.linear.scatter [tilespmem:s24], [sflag:$0x4], $0x8000, $0x38;
	[tilespmem:$0x10100] =	vst v63  }
0x9d: {  	_ =	swait.ge [sflag:s7], $0x8000  }
0x9e: {  	[sflag:s7] =	ssyncset.done $0x0  }
0x9f: {  	[sflag:s7] =	ssyncadd.s32 $0xFFFF8000  }
0xa0: {  	_ =	swait.ge [sflag:s16], $0x8000  }
0xa1: {  	[sflag:s16] =	ssyncset.done $0x0  }
0xa2: {  	[sflag:s16] =	ssyncadd.s32 $0xFFFF8000  }
0xa3: {  	v3 =	vld [tilespmem:$0x40];
	_ =	sdelay $0x4  }
0xa4: {  	v56 =	vshll.u32 v3, $0x2  }
0xa5: {  	v3 =	vand.u32 $0x7, v3;
	v4 =	vand.u32 $0xFFFFFFE0, v56  }
0xa6: {  	v3 =	vor.u32 v3, v4  }
0xa7: {  	v4 =	vperm.xlane v3, v0;
	_ =	sdelay $0x1  }
0xa8: {  	v4 =	vadd.s32 v1, v4;
	_ =	sdelay $0x1  }
0xa9: {  	v3 =	vperm.xlane v3, v2;
	_ =	sdelay $0x1  }
0xaa: {  	v3 =	vadd.s32 v1, v3  }
0xab: {  	[tilespmem:s24], [sflag:$0x2] =	stream.indirect_vreg.gather [hbm4b:s3+s2], $0x80, v4, vm0, $0xb8;
	[tilespmem:$0x10100] =	vst v63  }
0xac: {  	_ = 	snop  }
0xad: {  	[tilespmem:s19], [sflag:$0x2] =	stream.indirect_vreg.gather [hbm4b:s4+s2], $0x80, v4, vm0, $0xb8;
	[tilespmem:$0x10100] =	vst v63  }
0xae: {  	_ = 	snop  }
0xaf: {  	[tilespmem:s20], [sflag:$0x2] =	stream.indirect_vreg.gather [hbm4b:s3+s2], $0x80, v3, vm0, $0xb8;
	[tilespmem:$0x10100] =	vst v63  }
0xb0: {  	_ = 	snop  }
0xb1: {  	[tilespmem:s21], [sflag:$0x2] =	stream.indirect_vreg.gather [hbm4b:s4+s2], $0x80, v3, vm0, $0xb8;
	[tilespmem:$0x10100] =	vst v63  }
0xb2: {  	v3 =	vld [tilespmem:$0x50];
	_ =	sdelay $0x4  }
0xb3: {  	v57 =	vshll.u32 v3, $0x2  }
0xb4: {  	v3 =	vand.u32 $0x7, v3;
	v4 =	vand.u32 $0xFFFFFFE0, v57  }
0xb5: {  	v3 =	vor.u32 v3, v4  }
0xb6: {  	v4 =	vperm.xlane v3, v0;
	_ =	sdelay $0x1  }
0xb7: {  	v4 =	vadd.s32 v1, v4;
	_ =	sdelay $0x1  }
0xb8: {  	v3 =	vperm.xlane v3, v2;
	_ =	sdelay $0x1  }
0xb9: {  	v3 =	vadd.s32 v1, v3  }
0xba: {  	[tilespmem:s22], [sflag:$0x2] =	stream.indirect_vreg.gather [hbm4b:s3+s2], $0x80, v4, vm0, $0xb8;
	[tilespmem:$0x10100] =	vst v63  }
0xbb: {  	_ = 	snop  }
0xbc: {  	[tilespmem:s25], [sflag:$0x2] =	stream.indirect_vreg.gather [hbm4b:s4+s2], $0x80, v4, vm0, $0xb8;
	[tilespmem:$0x10100] =	vst v63  }
0xbd: {  	_ = 	snop  }
0xbe: {  	[tilespmem:s26], [sflag:$0x2] =	stream.indirect_vreg.gather [hbm4b:s3+s2], $0x80, v3, vm0, $0xb8;
	[tilespmem:$0x10100] =	vst v63  }
0xbf: {  	_ = 	snop  }
0xc0: {  	[tilespmem:s28], [sflag:$0x2] =	stream.indirect_vreg.gather [hbm4b:s4+s2], $0x80, v3, vm0, $0xb8;
	[tilespmem:$0x10100] =	vst v63  }
0xc1: {  	v3 =	vld [tilespmem:$0x60];
	_ =	sdelay $0x4  }
0xc2: {  	v58 =	vshll.u32 v3, $0x2  }
0xc3: {  	v3 =	vand.u32 $0x7, v3;
	v4 =	vand.u32 $0xFFFFFFE0, v58  }
0xc4: {  	v3 =	vor.u32 v3, v4  }
0xc5: {  	v4 =	vperm.xlane v3, v0;
	_ =	sdelay $0x1  }
0xc6: {  	v4 =	vadd.s32 v1, v4;
	_ =	sdelay $0x1  }
0xc7: {  	v3 =	vperm.xlane v3, v2;
	_ =	sdelay $0x1  }
0xc8: {  	v3 =	vadd.s32 v1, v3  }
0xc9: {  	[tilespmem:s29], [sflag:$0x2] =	stream.indirect_vreg.gather [hbm4b:s3+s2], $0x80, v4, vm0, $0xb8;
	[tilespmem:$0x10100] =	vst v63  }
0xca: {  	_ = 	snop  }
0xcb: {  	[tilespmem:s30], [sflag:$0x2] =	stream.indirect_vreg.gather [hbm4b:s4+s2], $0x80, v4, vm0, $0xb8;
	[tilespmem:$0x10100] =	vst v63  }
0xcc: {  	_ = 	snop  }
0xcd: {  	[tilespmem:s31], [sflag:$0x2] =	stream.indirect_vreg.gather [hbm4b:s3+s2], $0x80, v3, vm0, $0xb8;
	[tilespmem:$0x10100] =	vst v63  }
0xce: {  	_ = 	snop  }
0xcf: {  	[tilespmem:s1], [sflag:$0x2] =	stream.indirect_vreg.gather [hbm4b:s4+s2], $0x80, v3, vm0, $0xb8;
	[tilespmem:$0x10100] =	vst v63  }
0xd0: {  	v3 =	vld [tilespmem:$0x70];
	_ =	sdelay $0x4  }
0xd1: {  	v59 =	vshll.u32 v3, $0x2  }
0xd2: {  	v3 =	vand.u32 $0x7, v3;
	v4 =	vand.u32 $0xFFFFFFE0, v59  }
0xd3: {  	v3 =	vor.u32 v3, v4  }
0xd4: {  	v4 =	vperm.xlane v3, v0;
	_ =	sdelay $0x1  }
0xd5: {  	v4 =	vadd.s32 v1, v4;
	_ =	sdelay $0x1  }
0xd6: {  	v3 =	vperm.xlane v3, v2;
	_ =	sdelay $0x1  }
0xd7: {  	v3 =	vadd.s32 v1, v3  }
0xd8: {  	[tilespmem:s0], [sflag:$0x2] =	stream.indirect_vreg.gather [hbm4b:s3+s2], $0x80, v4, vm0, $0xb8;
	[tilespmem:$0x10100] =	vst v63  }
0xd9: {  	_ = 	snop  }
0xda: {  	[tilespmem:s8], [sflag:$0x2] =	stream.indirect_vreg.gather [hbm4b:s4+s2], $0x80, v4, vm0, $0xb8;
	[tilespmem:$0x10100] =	vst v63  }
0xdb: {  	_ = 	snop  }
0xdc: {  	[tilespmem:s9], [sflag:$0x2] =	stream.indirect_vreg.gather [hbm4b:s3+s2], $0x80, v3, vm0, $0xb8;
	[tilespmem:$0x10100] =	vst v63  }
0xdd: {  	_ = 	snop  }
0xde: {  	[tilespmem:s10], [sflag:$0x2] =	stream.indirect_vreg.gather [hbm4b:s4+s2], $0x80, v3, vm0, $0xb8;
	[tilespmem:$0x10100] =	vst v63  }
0xdf: {  	s0 =	rddreg [dreg:$0x6]  }
0xe0: {  	[hbm4b:s0+s2] =	stream.linear.scatter [tilespmem:s6], [sflag:$0x5], $0x8000, $0x38;
	[tilespmem:$0x10100] =	vst v63  }
0xe1: {  	_ =	swait.ge [sflag:s15], $0x8000  }
0xe2: {  	[sflag:s15] =	ssyncset.done $0x0  }
0xe3: {  	[sflag:s15] =	ssyncadd.s32 $0xFFFF8000  }
0xe4: {  	_ =	swait.ge [sflag:s17], $0x8000  }
0xe5: {  	[sflag:s17] =	ssyncset.done $0x0  }
0xe6: {  	[sflag:s17] =	ssyncadd.s32 $0xFFFF8000  }
0xe7: {  	v3 =	vld [tilespmem:$0xC0];
	_ =	sdelay $0x4  }
0xe8: {  	v60 =	vshll.u32 v3, $0x2  }
0xe9: {  	v3 =	vand.u32 $0x7, v3;
	v4 =	vand.u32 $0xFFFFFFE0, v60  }
0xea: {  	v3 =	vor.u32 v3, v4  }
0xeb: {  	v4 =	vperm.xlane v3, v0;
	_ =	sdelay $0x1  }
0xec: {  	v4 =	vadd.s32 v1, v4;
	_ =	sdelay $0x1  }
0xed: {  	v3 =	vperm.xlane v3, v2;
	_ =	sdelay $0x1  }
0xee: {  	v3 =	vadd.s32 v1, v3  }
0xef: {  	[tilespmem:s6], [sflag:$0x3] =	stream.indirect_vreg.gather [hbm4b:s3+s2], $0x80, v4, vm0, $0xb8;
	[tilespmem:$0x10100] =	vst v63  }
0xf0: {  	_ = 	snop  }
0xf1: {  	[tilespmem:s11], [sflag:$0x3] =	stream.indirect_vreg.gather [hbm4b:s4+s2], $0x80, v4, vm0, $0xb8;
	[tilespmem:$0x10100] =	vst v63  }
0xf2: {  	_ = 	snop  }
0xf3: {  	[tilespmem:s12], [sflag:$0x3] =	stream.indirect_vreg.gather [hbm4b:s3+s2], $0x80, v3, vm0, $0xb8;
	[tilespmem:$0x10100] =	vst v63  }
0xf4: {  	_ = 	snop  }
0xf5: {  	[tilespmem:s13], [sflag:$0x3] =	stream.indirect_vreg.gather [hbm4b:s4+s2], $0x80, v3, vm0, $0xb8;
	[tilespmem:$0x10100] =	vst v63  }
0xf6: {  	v3 =	vld [tilespmem:$0xD0];
	_ =	sdelay $0x4  }
0xf7: {  	v61 =	vshll.u32 v3, $0x2  }
0xf8: {  	v3 =	vand.u32 $0x7, v3;
	v4 =	vand.u32 $0xFFFFFFE0, v61  }
0xf9: {  	v3 =	vor.u32 v3, v4  }
0xfa: {  	v4 =	vperm.xlane v3, v0;
	_ =	sdelay $0x1  }
0xfb: {  	v4 =	vadd.s32 v1, v4;
	_ =	sdelay $0x1  }
0xfc: {  	v3 =	vperm.xlane v3, v2;
	_ =	sdelay $0x1  }
0xfd: {  	v3 =	vadd.s32 v1, v3  }
0xfe: {  	[tilespmem:s14], [sflag:$0x3] =	stream.indirect_vreg.gather [hbm4b:s3+s2], $0x80, v4, vm0, $0xb8;
	[tilespmem:$0x10100] =	vst v63  }
0xff: {  	s19 =	simm.s32 $0xA900  }
0x100: {  	[tilespmem:s19], [sflag:$0x3] =	stream.indirect_vreg.gather [hbm4b:s4+s2], $0x80, v4, vm0, $0xb8;
	[tilespmem:$0x10100] =	vst v63  }
0x101: {  	_ = 	snop  }
0x102: {  	[tilespmem:s23], [sflag:$0x3] =	stream.indirect_vreg.gather [hbm4b:s3+s2], $0x80, v3, vm0, $0xb8;
	[tilespmem:$0x10100] =	vst v63  }
0x103: {  	s20 =	simm.s32 $0xB900  }
0x104: {  	[tilespmem:s20], [sflag:$0x3] =	stream.indirect_vreg.gather [hbm4b:s4+s2], $0x80, v3, vm0, $0xb8;
	[tilespmem:$0x10100] =	vst v63  }
0x105: {  	v3 =	vld [tilespmem:$0xE0];
	_ =	sdelay $0x4  }
0x106: {  	v62 =	vshll.u32 v3, $0x2  }
0x107: {  	v3 =	vand.u32 $0x7, v3;
	v4 =	vand.u32 $0xFFFFFFE0, v62  }
0x108: {  	v3 =	vor.u32 v3, v4  }
0x109: {  	v4 =	vperm.xlane v3, v0;
	_ =	sdelay $0x1  }
0x10a: {  	v4 =	vadd.s32 v1, v4;
	_ =	sdelay $0x1  }
0x10b: {  	v3 =	vperm.xlane v3, v2;
	_ =	sdelay $0x1  }
0x10c: {  	s18 =	simm.s32 $0xC100;
	v3 =	vadd.s32 v1, v3  }
0x10d: {  	[tilespmem:s18], [sflag:$0x3] =	stream.indirect_vreg.gather [hbm4b:s3+s2], $0x80, v4, vm0, $0xb8;
	[tilespmem:$0x10100] =	vst v63  }
0x10e: {  	s19 =	simm.s32 $0xC900  }
0x10f: {  	[tilespmem:s19], [sflag:$0x3] =	stream.indirect_vreg.gather [hbm4b:s4+s2], $0x80, v4, vm0, $0xb8;
	[tilespmem:$0x10100] =	vst v63  }
0x110: {  	s20 =	simm.s32 $0xD100  }
0x111: {  	[tilespmem:s20], [sflag:$0x3] =	stream.indirect_vreg.gather [hbm4b:s3+s2], $0x80, v3, vm0, $0xb8;
	[tilespmem:$0x10100] =	vst v63  }
0x112: {  	s18 =	simm.s32 $0xD900  }
0x113: {  	[tilespmem:s18], [sflag:$0x3] =	stream.indirect_vreg.gather [hbm4b:s4+s2], $0x80, v3, vm0, $0xb8;
	[tilespmem:$0x10100] =	vst v63  }
0x114: {  	v3 =	vld [tilespmem:$0xF0];
	_ =	sdelay $0x4  }
0x115: {  	v63 =	vshll.u32 v3, $0x2  }
0x116: {  	v3 =	vand.u32 $0x7, v3;
	v4 =	vand.u32 $0xFFFFFFE0, v63  }
0x117: {  	v3 =	vor.u32 v3, v4  }
0x118: {  	v4 =	vperm.xlane v3, v0;
	_ =	sdelay $0x1  }
0x119: {  	v4 =	vadd.s32 v1, v4;
	_ =	sdelay $0x1  }
0x11a: {  	v3 =	vperm.xlane v3, v2;
	_ =	sdelay $0x1  }
0x11b: {  	s19 =	simm.s32 $0xE100;
	v3 =	vadd.s32 v1, v3  }
0x11c: {  	[tilespmem:s19], [sflag:$0x3] =	stream.indirect_vreg.gather [hbm4b:s3+s2], $0x80, v4, vm0, $0xb8;
	[tilespmem:$0x10100] =	vst v63  }
0x11d: {  	s20 =	simm.s32 $0xE900  }
0x11e: {  	[tilespmem:s20], [sflag:$0x3] =	stream.indirect_vreg.gather [hbm4b:s4+s2], $0x80, v4, vm0, $0xb8;
	[tilespmem:$0x10100] =	vst v63  }
0x11f: {  	s18 =	simm.s32 $0xF100  }
0x120: {  	[tilespmem:s18], [sflag:$0x3] =	stream.indirect_vreg.gather [hbm4b:s3+s2], $0x80, v3, vm0, $0xb8;
	[tilespmem:$0x10100] =	vst v63  }
0x121: {  	s20 =	simm.s32 $0xF900  }
0x122: {  	[tilespmem:s20], [sflag:$0x3] =	stream.indirect_vreg.gather [hbm4b:s4+s2], $0x80, v3, vm0, $0xb8;
	[tilespmem:$0x10100] =	vst v63  }
0x123: {  	s24 =	simm.s32 $0x100;
	s19 =	rddreg [dreg:$0x7]  }
0x124: {  	[hbm4b:s19+s2] =	stream.linear.scatter [tilespmem:s24], [sflag:$0x4], $0x8000, $0x38;
	[tilespmem:$0x10100] =	vst v63  }
0x125: {  	_ =	swait.ge [sflag:s7], $0x8000  }
0x126: {  	[sflag:s7] =	ssyncset.done $0x0  }
0x127: {  	s24 =	rddreg [dreg:$0x8];
	[sflag:s7] =	ssyncadd.s32 $0xFFFF8000  }
0x128: {  	[hbm4b:s24+s2] =	stream.linear.scatter [tilespmem:s6], [sflag:$0x5], $0x8000, $0x38;
	[tilespmem:$0x10100] =	vst v63  }
0x129: {  	p0 =	sne.s32 s5, $0x1;
	_ =	swait.ge [sflag:s17], $0x8000  }
.Ltmp0:
0x12a: {  	[sflag:s17] =	ssyncset.done $0x0;
	(pc) =	sbr.rel @p0 .LBB2_1-.Ltmp0, $4  }
0x12b: {  	[sflag:s17] =	ssyncadd.s32 $0xFFFF8000  }
0x12c: {  	_ =	swait.ge [sflag:s16], $0x8000  }
0x12d: {  	[sflag:s16] =	ssyncset.done $0x0  }
0x12e: {  	s5 =	sadd.s32 $0xFFFFFFFF, s5;
	[sflag:s16] =	ssyncadd.s32 $0xFFFF8000  }
0x12f: {  	_ =	sfence.sel $0x180000  }
0x130: {  	[bflag:$0x0] =	sbarrier.arrive $0xFFFF  }
0x131: {  	_ =	strace $0x9000004A  }
0x132: {  	s0 =	stileid.u32;
	[bflag:$0x2] =	sbarrier.arrive $0xFFFF  }
0x133: {  	p0 =	sne.s32 s0, $0x0;
	s0 =	rddreg [dreg:$0x2]  }
0x134: {  	s0 =	sadd.s32 @!p0 $0x100000, s0  }
0x135: {  	[sflag:s0] =	ssyncadd.tile.s32 @!p0 $0x1;
	_ =	shalt  }
.Lfunc_end2:
_tile_overlayer_lowered:
.L_overlay_start_2:
0x136: {  	(tag) =	ssettag $0x2  }
0x137: {  	s0 =	rddreg [dreg:$0x0];
	s2 =	stileid.u32  }
0x138: {  	s1 =	rddreg [dreg:$0x1];
	p0 =	sne.s32 s2, $0x0  }
0x139: {  	s3 =	rddreg [dreg:$0x2];
	[bflag:$0x3] =	sbarrier.arrive $0xFFFF;
	s2 =	simm.s32 @!p0 $0x1C06  }
0x13a: {  	[timem:s3], [sflag:s2] =	dma.local @!p0 [hbm:s0], s1  }
0x13b: {  	s0 =	simm.s32 @!p0 $0x6  }
0x13c: {  	_ =	swait.ge @!p0 [sflag:s0], s1  }
0x13d: {  	s1 =	ssub.s32 @!p0 $0x0, s1;
	[sflag:s0] =	ssyncset.done @!p0 $0x0  }
0x13e: {  	[sflag:s0] =	ssyncadd.s32 @!p0 s1  }
0x13f: {  	[bflag:$0x3] =	sbarrier.arrive $0xFFFF  }
0x140: {  	_ =	shalt  }

// kernel: _moe.8.cloned.1.call-start
scs
__scs_entry_jumppad:
0x0: {  	(pc) =	sbr.rel $0x88, $3  }
0x1: {  	(tag) =	ssettag $0x0;
	lr =	simm.s32 $0x1  }
0x2: {  	[smem:$0x3F9C] =	sst lr;
	_ =	strace $0xD0000000  }
0x3: {  	_ = 	snop  }
0x4: {  	_ = 	snop  }
0x5: {  	_ = 	snop  }
0x6: {  	_ = 	snop  }
0x7: {  	_ = 	snop  }
__scs_overlays_trampoline_lowered:
0x8: {  	[smem:$0x3FAB] =	sst s0  }
0x9: {  	[smem:$0x3FAC] =	sst s1  }
0xa: {  	[smem:$0x3FAD] =	sst s2  }
0xb: {  	[smem:$0x3FAE] =	sst s3  }
0xc: {  	[smem:$0x3FAF] =	sst s4  }
0xd: {  	[smem:$0x3FB0] =	sst s5  }
0xe: {  	[smem:$0x3FB1] =	sst s6  }
0xf: {  	[smem:$0x3FB2] =	sst s7  }
0x10: {  	[smem:$0x3FB3] =	sst s8  }
0x11: {  	[smem:$0x3FB4] =	sst s9;
	s0 =	simm.s32 @!p0 $0x0  }
0x12: {  	s1 =	sld [smem:$0x3F9A];
	s0 =	simm.s32 @p0 $0x1  }
0x13: {  	[smem:$0x3FB5] =	sst s0;
	s0 =	simm.s32 @!p1 $0x0  }
0x14: {  	s2 =	sld [smem:$0x3F99];
	s0 =	simm.s32 @p1 $0x1  }
0x15: {  	[smem:$0x3FB6] =	sst s0;
	s0 =	simm.s32 @!p2 $0x0  }
0x16: {  	s3 =	sld [smem:$0x3FDB];
	s0 =	simm.s32 @p2 $0x1  }
0x17: {  	s4 =	simm.s32 $0x1BF5;
	[smem:$0x3FB8] =	sst s0  }
0x18: {  	s0 =	sld [smem:$0x3F9B];
	_ =	swait.ge [sflag:s4], $0x0  }
0x19: {  	s7 =	sld [smem:$0x3F9C]  }
0x1a: {  	s8 =	sadd.s32 $0xFFFFE003, lr  }
0x1b: {  	s9 =	sadd.s32 $0xFFFFFEF7, lr;
	s5 =	simm.s32 $0xFFFFFFFF;
	p2 =	slt.u32 s8, $0xFFFFF086  }
0x1c: {  	p1 =	slt.u32 s9, $0xF7A;
	s5 =	simm.s32 @!p2 $0x0  }
0x1d: {  	s5 =	simm.s32 @p1 $0x1;
	p0 =	seq.s32 s7, s2  }
0x1e: {  	s7 =	smul.u32 @!p0 $0xF7A, s2;
	p2 =	seq.s32 @!p0 s5, $0x0  }
0x1f: {  	s9 =	smul.u32 $0xF7A, s1;
	s8 =	simm.s32 @!p0 $0x1BF5;
	p2 =	por !p2, p0  }
0x20: {  	[sflag:s8] =	ssyncset.s32 @!p0 $0xFFFFF086;
	s6 =	sadd.s32 @!p0 s3, s7;
	s7 =	simm.s32 @!p0 $0x108  }
0x21: {  	s3 =	sadd.s32 s3, s9;
	s6 =	sadd.s32 @!p0 $0x88, s6;
	s7 =	simm.s32 @p2 $0x1082  }
0x22: {  	[simem:s7], [sflag:s8] =	dma.local @!p0 [hbm:s6], $0xF7A  }
0x23: {  	s9 =	sor.u32 $0xD0000000, s2;
	s6 =	simm.s32 $0x108;
	_ =	swait.ge @!p0 [sflag:s8], $0x0  }
0x24: {  	s3 =	sadd.s32 $0x88, s3;
	s6 =	simm.s32 @!p1 $0x1082;
	[sflag:s4] =	ssyncset.s32 $0xFFFFF086  }
0x25: {  	[simem:s6], [sflag:s4] =	dma.local [hbm:s3], $0xF7A  }
0x26: {  	[smem:$0x3F9C] =	sst s1;
	(tag) =	ssettag s2;
	_ =	strace s9  }
0x27: {  	s1 =	sld [smem:$0x3FAC]  }
0x28: {  	s2 =	sld [smem:$0x3FAD]  }
0x29: {  	s4 =	sld [smem:$0x3FAF]  }
0x2a: {  	p0 =	seq.s32 s5, $0x0;
	s5 =	sld [smem:$0x3FB0]  }
0x2b: {  	s6 =	sld [smem:$0x3FB1]  }
0x2c: {  	s7 =	sld [smem:$0x3FB2]  }
0x2d: {  	s3 =	simm.s32 $0x108;
	s8 =	sld [smem:$0x3FB3]  }
0x2e: {  	s3 =	simm.s32 @!p0 $0x1082;
	s9 =	sld [smem:$0x3FB4]  }
0x2f: {  	lr =	sadd.s32 s0, s3;
	s0 =	sld [smem:$0x3FAB]  }
0x30: {  	s3 =	sld [smem:$0x3FAE]  }
0x31: {  	[smem:$0x3FB7] =	sst s10  }
0x32: {  	s10 =	sld [smem:$0x3FB5];
	_ =	sdelay $0x3  }
0x33: {  	p0 =	seq.s32 s10, $0x1;
	s10 =	sld [smem:$0x3FB7];
	_ =	sdelay $0x3  }
0x34: {  	[smem:$0x3FB7] =	sst s10  }
0x35: {  	s10 =	sld [smem:$0x3FB6];
	_ =	sdelay $0x3  }
0x36: {  	p1 =	seq.s32 s10, $0x1;
	s10 =	sld [smem:$0x3FB7];
	_ =	sdelay $0x3  }
0x37: {  	[smem:$0x3FB7] =	sst s10  }
0x38: {  	s10 =	sld [smem:$0x3FB8]  }
0x39: {  	_ = 	snop;
	(pc) =	sbr.ind lr, $3  }
0x3a: {  	_ = 	snop  }
0x3b: {  	_ = 	snop  }
0x3c: {  	p2 =	seq.s32 s10, $0x1;
	s10 =	sld [smem:$0x3FB7]  }
0x3d: {  	_ =	shalt  }
0x3e: {  	_ =	shalt  }
0x3f: {  	_ =	shalt  }
0x40: {  	_ =	shalt  }
0x41: {  	_ =	shalt  }
0x42: {  	_ =	shalt  }
0x43: {  	_ =	shalt  }
0x44: {  	_ =	shalt  }
0x45: {  	_ =	shalt  }
0x46: {  	_ =	shalt  }
0x47: {  	_ =	shalt  }
0x48: {  	_ =	shalt  }
0x49: {  	_ =	shalt  }
0x4a: {  	_ =	shalt  }
0x4b: {  	_ =	shalt  }
0x4c: {  	_ =	shalt  }
0x4d: {  	_ =	shalt  }
0x4e: {  	_ =	shalt  }
0x4f: {  	_ =	shalt  }
0x50: {  	_ =	shalt  }
0x51: {  	_ =	shalt  }
0x52: {  	_ =	shalt  }
0x53: {  	_ =	shalt  }
0x54: {  	_ =	shalt  }
0x55: {  	_ =	shalt  }
0x56: {  	_ =	shalt  }
0x57: {  	_ =	shalt  }
0x58: {  	_ =	shalt  }
0x59: {  	_ =	shalt  }
0x5a: {  	_ =	shalt  }
0x5b: {  	_ =	shalt  }
0x5c: {  	_ =	shalt  }
0x5d: {  	_ =	shalt  }
0x5e: {  	_ =	shalt  }
0x5f: {  	_ =	shalt  }
0x60: {  	_ =	shalt  }
0x61: {  	_ =	shalt  }
0x62: {  	_ =	shalt  }
0x63: {  	_ =	shalt  }
0x64: {  	_ =	shalt  }
0x65: {  	_ =	shalt  }
0x66: {  	_ =	shalt  }
0x67: {  	_ =	shalt  }
0x68: {  	_ =	shalt  }
0x69: {  	_ =	shalt  }
0x6a: {  	_ =	shalt  }
0x6b: {  	_ =	shalt  }
0x6c: {  	_ =	shalt  }
0x6d: {  	_ =	shalt  }
0x6e: {  	_ =	shalt  }
0x6f: {  	_ =	shalt  }
0x70: {  	_ =	shalt  }
0x71: {  	_ =	shalt  }
0x72: {  	_ =	shalt  }
0x73: {  	_ =	shalt  }
0x74: {  	_ =	shalt  }
0x75: {  	_ =	shalt  }
0x76: {  	_ =	shalt  }
0x77: {  	_ =	shalt  }
0x78: {  	_ =	shalt  }
0x79: {  	_ =	shalt  }
0x7a: {  	_ =	shalt  }
0x7b: {  	_ =	shalt  }
0x7c: {  	_ =	shalt  }
0x7d: {  	_ =	shalt  }
0x7e: {  	_ =	shalt  }
0x7f: {  	_ =	shalt  }
0x80: {  	_ =	shalt  }
0x81: {  	_ =	shalt  }
0x82: {  	_ =	shalt  }
0x83: {  	_ =	shalt  }
0x84: {  	_ =	shalt  }
0x85: {  	_ =	shalt  }
0x86: {  	_ =	shalt  }
0x87: {  	_ =	shalt  }
.Lfunc_end0:
.L_simem_size_0:
called_computation_lowered:
.L_overlay_start_0:
0x88: {  	s2 =	sld [smem:$0x3FD9]  }
0x89: {  	s3 =	sld [smem:$0x3FFE];
	_ =	sdelay $0x1  }
0x8a: {  	s1 =	srdreg.scid  }
0x8b: {  	s0 =	sand.u32 $0x1, s1  }
0x8c: {  	s14 =	sshll.u32 s0, $0xA;
	s2 =	sadd.s32 s3, s2  }
0x8d: {  	s2 =	sadd.s32 s2, s14  }
0x8e: {  	[smem:$0x3FC3] =	sst s2  }
0x8f: {  	_ = 	snop  }
0x90: {  	s2 =	sld [smem:$0x3FD0];
	_ =	sdelay $0x2  }
0x91: {  	s15 =	simm.s32 $0xA;
	s4 =	simm.s32 $0x10  }
0x92: {  	[smem:s4], [sflag:s15] =	dma.local [hbm:s2], $0x1  }
0x93: {  	_ =	swait.eq [sflag:s15], $0x1  }
0x94: {  	[sflag:s15] =	ssyncset.done $0x0  }
0x95: {  	[sflag:s15] =	ssyncadd.s32 $0xFFFFFFFF  }
0x96: {  	s16 =	sld [smem:$0x10];
	(tm) =	ssettm $0x1  }
0x97: {  	s17 =	sld [smem:$0x3FFB];
	_ =	sdelay $0x3  }
0x98: {  	_ =	strace s17  }
0x99: {  	s3 =	sld [smem:$0x3FFC];
	_ =	sdelay $0x3  }
0x9a: {  	_ =	strace s3  }
0x9b: {  	s3 =	sld [smem:$0x3FFD];
	_ =	sdelay $0x3  }
0x9c: {  	_ =	strace s3  }
0x9d: {  	_ =	strace $0x8FFFFFFF  }
0x9e: {  	s18 =	sld [smem:$0x3FDB];
	_ =	sdelay $0x1  }
0x9f: {  	s19 =	simm.s32 $_scs_section_size  }
0xa0: {  	s5 =	simm.s32 $_size__tile_overlayer_lowered;
	s6 =	simm.s32 $_tile_overlayer_lowered  }
0xa1: {  	s22 =	simm.s32 $0x1BFF;
	s21 =	sshll.u32 s6, $0x1;
	s3 =	sadd.s32 s19, s18  }
0xa2: {  	s7 =	simm.s32 $0x0;
	s20 =	sshll.u32 s5, $0x1;
	s5 =	sadd.s32 s21, s3  }
0xa3: {  	[timem:s7], [sflag:s22] =	dma.local [hbm:s5], s20  }
0xa4: {  	_ =	swait.ge [sflag:s22], s20  }
0xa5: {  	s4 =	ssub.s32 $0x0, s20;
	[sflag:s22] =	ssyncset.done $0x0  }
0xa6: {  	[sflag:s22] =	ssyncadd.s32 s4;
	_ =	sdelay $0x1  }
0xa7: {  	s23 =	simm.s32 $0x1B8B  }
0xa8: {  	_ =	swait.ge [sflag:s23], $0x1  }
0xa9: {  	[sflag:s23] =	ssyncset.done $0x0  }
0xaa: {  	s25 =	simm.s32 $0x1B8E;
	s24 =	sld [smem:$0x3FFE];
	[sflag:s23] =	ssyncadd.s32 $0xFFFFFFFF  }
0xab: {  	s26 =	simm.s32 $execute0_lowered;
	[smem:$0x3FD2] =	sst s25  }
0xac: {  	s5 =	sshll.u32 s26, $0x1;
	_ =	strace $0x80000046;
	[dreg:$0x1] =	wrdreg $0xFFFFFFFF  }
0xad: {  	s28 =	simm.s32 $_size_execute0_lowered;
	s3 =	sadd.s32 s3, s5;
	[dreg:$0x0] =	wrdreg $0x0  }
0xae: {  	s5 =	sshll.u32 s28, $0x1;
	[dreg:$0x2] =	wrdreg s3  }
0xaf: {  	[dreg:$0x3] =	wrdreg s5  }
0xb0: {  	[dreg:$0x4] =	wrdreg $0xC0  }
0xb1: {  	_ =	task [dreg:s7], $0x5FFFF  }
0xb2: {  	[dreg:$0x1] =	wrdreg $0xFFFFFFFF  }
0xb3: {  	[dreg:$0x0] =	wrdreg $0x60  }
0xb4: {  	[dreg:$0x2] =	wrdreg s16  }
0xb5: {  	[dreg:$0x3] =	wrdreg s24  }
0xb6: {  	[dreg:$0x4] =	wrdreg $0x9  }
0xb7: {  	_ =	task.clear_ibuf [dreg:s7], $0x5FFFF;
	_ =	strace $0x90000046  }
0xb8: {  	s29 =	simm.s32 $0x9;
	_ =	strace $0x80000048  }
0xb9: {  	_ =	swait.ge [sflag:s29], $0x1  }
0xba: {  	[sflag:s29] =	ssyncadd.s32 $0xFFFFFFFF  }
0xbb: {  	_ =	strace $0x90000048  }
0xbc: {  	_ =	sfence  }
0xbd: {  	s30 =	sld [smem:$0x0];
	_ =	sdelay $0x2  }
0xbe: {  	s31 =	sshll.u32 s1, $0xD;
	s1 =	sshrl.u32 s1, $0x2  }
0xbf: {  	s3 =	sand.u32 $0x4000, s31;
	s1 =	sadd.s32 s1, s30  }
0xc0: {  	s0 =	sor.u32 s3, s0;
	s1 =	sshll.u32 s1, $0x11  }
0xc1: {  	s0 =	sor.u32 s1, s0  }
0xc2: {  	s0 =	sadd.s32 $0x8F2B, s0  }
0xc3: {  	[sflag:s0] =	ssyncadd.remote.s32 $0x1  }
0xc4: {  	_ =	sfence.sel $0xFFFF  }
0xc5: {  	[dreg:$0x0] =	wrdreg $0xFFFFFFFF;
	(pc) =	sbr.abs _section_cstart, $3  }
0xc6: {  	[dreg:$0x1] =	wrdreg $0xFFFFFFFF  }
0xc7: {  	_ =	task.clear_ibuf [dreg:s7], $0x2FFFF;
	_ =	strace $0x9FFFFFFF  }
0xc8: {  	(tm) =	ssettm $0x7FFFFFFF  }
0xc9: {  	_ =	shalt  }
tec
execute0_lowered:
.L_overlay_start_1:
0x0: {  	(tag) =	ssettag $0x1  }
0x1: {  	s0 =	rddreg [dreg:$0x0]  }
0x2: {  	s2 =	rddreg [dreg:$0x1]  }
0x3: {  	s1 =	simm.s32 $0x0;
	s3 =	srdreg.scid;
	s8 =	stileid.u32  }
0x4: {  	s28 =	simm.s32 $0x2;
	s29 =	simm.s32 $0x2100;
	s30 =	simm.s32 $0x2900  }
0x5: {  	s31 =	simm.s32 $0x3100;
	s12 =	simm.s32 $0x5900;
	s13 =	simm.s32 $0x6100  }
0x6: {  	s14 =	simm.s32 $0x6900;
	s15 =	simm.s32 $0x7100;
	s16 =	simm.s32 $0x7900  }
0x7: {  	s17 =	simm.s32 $0x80;
	s18 =	simm.s32 $0x8900;
	[smem:$0x7FF] =	sst s1  }
0x8: {  	s6 =	sadd.s32 $0x1600, s2;
	s3 =	sand.u32 $0x1, s3;
	s7 =	sadd.s32 $0x1800, s2  }
0x9: {  	s8 =	sshll.u32 s8, $0x8;
	s4 =	ssub.s32 $0x2, s3;
	s9 =	sshll.u32 s3, $0x7  }
0xa: {  	_ =	strace $0x80000047;
	s5 =	sshrl.u32 s4, $0x1;
	s19 =	sor.u32 s9, s8  }
0xb: {  	s3 =	sadd.s32 $0x1A00, s2;
	s10 =	ssub.s32 s4, s5;
	s20 =	sshll.u32 s19, $0x6  }
0xc: {  	s8 =	sshrl.u32 s19, $0x3;
	s9 =	sor.u32 $0x40, s19;
	s5 =	sadd.s32 $0x1B00, s2  }
0xd: {  	s4 =	simm.s32 $0x3900;
	s2 =	simm.s32 $0x4100;
	s19 =	simm.s32 $0x9100  }
0xe: {  	s21 =	sadd.s32 s0, s20;
	s22 =	sadd.s32 s6, s8;
	s11 =	sshrl.u32 s9, $0x3  }
0xf: {  	s24 =	sshll.u32 s9, $0x6;
	s25 =	sadd.s32 s7, s8;
	[dreg:$0x7] =	wrdreg s21  }
0x10: {  	s9 =	simm.s32 $0x1;
	s20 =	simm.s32 $0x3;
	[dreg:$0x3] =	wrdreg s22  }
0x11: {  	s23 =	sadd.s32 s6, s11;
	s0 =	sadd.s32 s0, s24;
	[dreg:$0x5] =	wrdreg s25  }
0x12: {  	s26 =	sadd.s32 s7, s11;
	s7 =	smax.u32 s10, $0x1;
	s21 =	simm.s32 $0x4  }
0x13: {  	v2 =	vlaneseq.u32;
	s25 =	simm.s32 $0x100;
	s24 =	simm.s32 $0x1100;
	[dreg:$0x4] =	wrdreg s23  }
0x14: {  	vm0 =	vmmov $0xffff;
	v1 =	vshrl.u32 v2, $0x3;
	s10 =	simm.s32 $0x4900;
	s11 =	simm.s32 $0x5100;
	[dreg:$0x8] =	wrdreg s0  }
0x15: {  	v0 =	vand.u32 $0x7, v2;
	v2 =	vor.u32 $0x8, v2;
	v1 =	vmul.u32 $0x8, v1;
	[dreg:$0x6] =	wrdreg s26;
	s23 =	simm.s32 $0x900;
	s26 =	simm.s32 $0x1900  }
.LBB2_1:
0x16: {  	s6 =	rddreg [dreg:$0x7]  }
0x17: {  	[tilespmem:s25], [sflag:$0x1] =	stream.linear.gather [hbm4b:s6+s1], $0x8000, $0x38;
	[tilespmem:$0x10100] =	vst v63  }
0x18: {  	s22 =	rddreg [dreg:$0x3]  }
0x19: {  	[tilespmem:s1], [sflag:$0x1] =	stream.linear.gather [hbm4b:s22+s1], $0x40, $0x38;
	[tilespmem:$0x10100] =	vst v63  }
0x1a: {  	_ =	swait.ge [sflag:s9], $0x8000  }
0x1b: {  	[sflag:s9] =	ssyncset.done $0x0  }
0x1c: {  	[sflag:s9] =	ssyncadd.s32 $0xFFFF8000  }
0x1d: {  	_ =	swait.ge [sflag:s9], $0x40  }
0x1e: {  	[sflag:s9] =	ssyncset.done $0x0  }
0x1f: {  	[sflag:s9] =	ssyncadd.s32 $0xFFFFFFC0  }
0x20: {  	v3 =	vld [tilespmem:$0x0];
	_ =	sdelay $0x4  }
0x21: {  	v4 =	vshll.u32 v3, $0x2  }
0x22: {  	v3 =	vand.u32 $0x7, v3;
	v4 =	vand.u32 $0xFFFFFFE0, v4  }
0x23: {  	v3 =	vor.u32 v3, v4  }
0x24: {  	v4 =	vperm.xlane v3, v0;
	_ =	sdelay $0x1  }
0x25: {  	v4 =	vadd.s32 v1, v4;
	_ =	sdelay $0x1  }
0x26: {  	v3 =	vperm.xlane v3, v2;
	_ =	sdelay $0x1  }
0x27: {  	v3 =	vadd.s32 v1, v3  }
0x28: {  	[hbm4b:s3+s1] =	stream.indirect_vreg.scatter [tilespmem:s25], [sflag:$0x3], $0x80, v4, vm0, $0xb8;
	[tilespmem:$0x10100] =	vst v63  }
0x29: {  	_ = 	snop  }
0x2a: {  	[hbm4b:s5+s1] =	stream.indirect_vreg.scatter [tilespmem:s23], [sflag:$0x3], $0x80, v4, vm0, $0xb8;
	[tilespmem:$0x10100] =	vst v63  }
0x2b: {  	_ = 	snop  }
0x2c: {  	[hbm4b:s3+s1] =	stream.indirect_vreg.scatter [tilespmem:s24], [sflag:$0x3], $0x80, v3, vm0, $0xb8;
	[tilespmem:$0x10100] =	vst v63  }
0x2d: {  	_ = 	snop  }
0x2e: {  	[hbm4b:s5+s1] =	stream.indirect_vreg.scatter [tilespmem:s26], [sflag:$0x3], $0x80, v3, vm0, $0xb8;
	[tilespmem:$0x10100] =	vst v63  }
0x2f: {  	v3 =	vld [tilespmem:$0x10];
	_ =	sdelay $0x4  }
0x30: {  	v49 =	vshll.u32 v3, $0x2  }
0x31: {  	v3 =	vand.u32 $0x7, v3;
	v4 =	vand.u32 $0xFFFFFFE0, v49  }
0x32: {  	v3 =	vor.u32 v3, v4  }
0x33: {  	v4 =	vperm.xlane v3, v0;
	_ =	sdelay $0x1  }
0x34: {  	v4 =	vadd.s32 v1, v4;
	_ =	sdelay $0x1  }
0x35: {  	v3 =	vperm.xlane v3, v2;
	_ =	sdelay $0x1  }
0x36: {  	v3 =	vadd.s32 v1, v3  }
0x37: {  	[hbm4b:s3+s1] =	stream.indirect_vreg.scatter [tilespmem:s29], [sflag:$0x3], $0x80, v4, vm0, $0xb8;
	[tilespmem:$0x10100] =	vst v63  }
0x38: {  	_ = 	snop  }
0x39: {  	[hbm4b:s5+s1] =	stream.indirect_vreg.scatter [tilespmem:s30], [sflag:$0x3], $0x80, v4, vm0, $0xb8;
	[tilespmem:$0x10100] =	vst v63  }
0x3a: {  	_ = 	snop  }
0x3b: {  	[hbm4b:s3+s1] =	stream.indirect_vreg.scatter [tilespmem:s31], [sflag:$0x3], $0x80, v3, vm0, $0xb8;
	[tilespmem:$0x10100] =	vst v63  }
0x3c: {  	_ = 	snop  }
0x3d: {  	[hbm4b:s5+s1] =	stream.indirect_vreg.scatter [tilespmem:s4], [sflag:$0x3], $0x80, v3, vm0, $0xb8;
	[tilespmem:$0x10100] =	vst v63  }
0x3e: {  	v3 =	vld [tilespmem:$0x20];
	_ =	sdelay $0x4  }
0x3f: {  	v50 =	vshll.u32 v3, $0x2  }
0x40: {  	v3 =	vand.u32 $0x7, v3;
	v4 =	vand.u32 $0xFFFFFFE0, v50  }
0x41: {  	v3 =	vor.u32 v3, v4  }
0x42: {  	v4 =	vperm.xlane v3, v0;
	_ =	sdelay $0x1  }
0x43: {  	v4 =	vadd.s32 v1, v4;
	_ =	sdelay $0x1  }
0x44: {  	v3 =	vperm.xlane v3, v2;
	_ =	sdelay $0x1  }
0x45: {  	v3 =	vadd.s32 v1, v3  }
0x46: {  	[hbm4b:s3+s1] =	stream.indirect_vreg.scatter [tilespmem:s2], [sflag:$0x3], $0x80, v4, vm0, $0xb8;
	[tilespmem:$0x10100] =	vst v63  }
0x47: {  	_ = 	snop  }
0x48: {  	[hbm4b:s5+s1] =	stream.indirect_vreg.scatter [tilespmem:s10], [sflag:$0x3], $0x80, v4, vm0, $0xb8;
	[tilespmem:$0x10100] =	vst v63  }
0x49: {  	_ = 	snop  }
0x4a: {  	[hbm4b:s3+s1] =	stream.indirect_vreg.scatter [tilespmem:s11], [sflag:$0x3], $0x80, v3, vm0, $0xb8;
	[tilespmem:$0x10100] =	vst v63  }
0x4b: {  	_ = 	snop  }
0x4c: {  	[hbm4b:s5+s1] =	stream.indirect_vreg.scatter [tilespmem:s12], [sflag:$0x3], $0x80, v3, vm0, $0xb8;
	[tilespmem:$0x10100] =	vst v63  }
0x4d: {  	v3 =	vld [tilespmem:$0x30];
	_ =	sdelay $0x4  }
0x4e: {  	v51 =	vshll.u32 v3, $0x2  }
0x4f: {  	v3 =	vand.u32 $0x7, v3;
	v4 =	vand.u32 $0xFFFFFFE0, v51  }
0x50: {  	v3 =	vor.u32 v3, v4  }
0x51: {  	v4 =	vperm.xlane v3, v0;
	_ =	sdelay $0x1  }
0x52: {  	v4 =	vadd.s32 v1, v4;
	_ =	sdelay $0x1  }
0x53: {  	v3 =	vperm.xlane v3, v2;
	_ =	sdelay $0x1  }
0x54: {  	v3 =	vadd.s32 v1, v3  }
0x55: {  	[hbm4b:s3+s1] =	stream.indirect_vreg.scatter [tilespmem:s13], [sflag:$0x3], $0x80, v4, vm0, $0xb8;
	[tilespmem:$0x10100] =	vst v63  }
0x56: {  	_ = 	snop  }
0x57: {  	[hbm4b:s5+s1] =	stream.indirect_vreg.scatter [tilespmem:s14], [sflag:$0x3], $0x80, v4, vm0, $0xb8;
	[tilespmem:$0x10100] =	vst v63  }
0x58: {  	_ = 	snop  }
0x59: {  	[hbm4b:s3+s1] =	stream.indirect_vreg.scatter [tilespmem:s15], [sflag:$0x3], $0x80, v3, vm0, $0xb8;
	[tilespmem:$0x10100] =	vst v63  }
0x5a: {  	_ = 	snop  }
0x5b: {  	[hbm4b:s5+s1] =	stream.indirect_vreg.scatter [tilespmem:s16], [sflag:$0x3], $0x80, v3, vm0, $0xb8;
	[tilespmem:$0x10100] =	vst v63  }
0x5c: {  	s0 =	simm.s32 $0x8100;
	s8 =	rddreg [dreg:$0x8]  }
0x5d: {  	[tilespmem:s0], [sflag:$0x2] =	stream.linear.gather [hbm4b:s8+s1], $0x8000, $0x38;
	[tilespmem:$0x10100] =	vst v63  }
0x5e: {  	s22 =	rddreg [dreg:$0x4]  }
0x5f: {  	[tilespmem:s17], [sflag:$0x2] =	stream.linear.gather [hbm4b:s22+s1], $0x40, $0x38;
	[tilespmem:$0x10100] =	vst v63  }
0x60: {  	_ =	swait.ge [sflag:s28], $0x8000  }
0x61: {  	[sflag:s28] =	ssyncset.done $0x0  }
0x62: {  	[sflag:s28] =	ssyncadd.s32 $0xFFFF8000  }
0x63: {  	_ =	swait.ge [sflag:s28], $0x40  }
0x64: {  	[sflag:s28] =	ssyncset.done $0x0  }
0x65: {  	[sflag:s28] =	ssyncadd.s32 $0xFFFFFFC0  }
0x66: {  	v3 =	vld [tilespmem:$0x80];
	_ =	sdelay $0x4  }
0x67: {  	v52 =	vshll.u32 v3, $0x2  }
0x68: {  	v3 =	vand.u32 $0x7, v3;
	v4 =	vand.u32 $0xFFFFFFE0, v52  }
0x69: {  	v3 =	vor.u32 v3, v4  }
0x6a: {  	v4 =	vperm.xlane v3, v0;
	_ =	sdelay $0x1  }
0x6b: {  	v4 =	vadd.s32 v1, v4;
	_ =	sdelay $0x1  }
0x6c: {  	v3 =	vperm.xlane v3, v2;
	_ =	sdelay $0x1  }
0x6d: {  	v3 =	vadd.s32 v1, v3  }
0x6e: {  	[hbm4b:s3+s1] =	stream.indirect_vreg.scatter [tilespmem:s0], [sflag:$0x4], $0x80, v4, vm0, $0xb8;
	[tilespmem:$0x10100] =	vst v63  }
0x6f: {  	_ = 	snop  }
0x70: {  	[hbm4b:s5+s1] =	stream.indirect_vreg.scatter [tilespmem:s18], [sflag:$0x4], $0x80, v4, vm0, $0xb8;
	[tilespmem:$0x10100] =	vst v63  }
0x71: {  	_ = 	snop  }
0x72: {  	[hbm4b:s3+s1] =	stream.indirect_vreg.scatter [tilespmem:s19], [sflag:$0x4], $0x80, v3, vm0, $0xb8;
	[tilespmem:$0x10100] =	vst v63  }
0x73: {  	s22 =	simm.s32 $0x9900  }
0x74: {  	[hbm4b:s5+s1] =	stream.indirect_vreg.scatter [tilespmem:s22], [sflag:$0x4], $0x80, v3, vm0, $0xb8;
	[tilespmem:$0x10100] =	vst v63  }
0x75: {  	v3 =	vld [tilespmem:$0x90];
	_ =	sdelay $0x4  }
0x76: {  	v53 =	vshll.u32 v3, $0x2  }
0x77: {  	v3 =	vand.u32 $0x7, v3;
	v4 =	vand.u32 $0xFFFFFFE0, v53  }
0x78: {  	v3 =	vor.u32 v3, v4  }
0x79: {  	v4 =	vperm.xlane v3, v0;
	_ =	sdelay $0x1  }
0x7a: {  	v4 =	vadd.s32 v1, v4;
	_ =	sdelay $0x1  }
0x7b: {  	v3 =	vperm.xlane v3, v2;
	_ =	sdelay $0x1  }
0x7c: {  	s22 =	simm.s32 $0xA100;
	v3 =	vadd.s32 v1, v3  }
0x7d: {  	[hbm4b:s3+s1] =	stream.indirect_vreg.scatter [tilespmem:s22], [sflag:$0x4], $0x80, v4, vm0, $0xb8;
	[tilespmem:$0x10100] =	vst v63  }
0x7e: {  	s22 =	simm.s32 $0xA900  }
0x7f: {  	[hbm4b:s5+s1] =	stream.indirect_vreg.scatter [tilespmem:s22], [sflag:$0x4], $0x80, v4, vm0, $0xb8;
	[tilespmem:$0x10100] =	vst v63  }
0x80: {  	s22 =	simm.s32 $0xB100  }
0x81: {  	[hbm4b:s3+s1] =	stream.indirect_vreg.scatter [tilespmem:s22], [sflag:$0x4], $0x80, v3, vm0, $0xb8;
	[tilespmem:$0x10100] =	vst v63  }
0x82: {  	s22 =	simm.s32 $0xB900  }
0x83: {  	[hbm4b:s5+s1] =	stream.indirect_vreg.scatter [tilespmem:s22], [sflag:$0x4], $0x80, v3, vm0, $0xb8;
	[tilespmem:$0x10100] =	vst v63  }
0x84: {  	v3 =	vld [tilespmem:$0xA0];
	_ =	sdelay $0x4  }
0x85: {  	v54 =	vshll.u32 v3, $0x2  }
0x86: {  	v3 =	vand.u32 $0x7, v3;
	v4 =	vand.u32 $0xFFFFFFE0, v54  }
0x87: {  	v3 =	vor.u32 v3, v4  }
0x88: {  	v4 =	vperm.xlane v3, v0;
	_ =	sdelay $0x1  }
0x89: {  	v4 =	vadd.s32 v1, v4;
	_ =	sdelay $0x1  }
0x8a: {  	v3 =	vperm.xlane v3, v2;
	_ =	sdelay $0x1  }
0x8b: {  	s22 =	simm.s32 $0xC100;
	v3 =	vadd.s32 v1, v3  }
0x8c: {  	[hbm4b:s3+s1] =	stream.indirect_vreg.scatter [tilespmem:s22], [sflag:$0x4], $0x80, v4, vm0, $0xb8;
	[tilespmem:$0x10100] =	vst v63  }
0x8d: {  	s22 =	simm.s32 $0xC900  }
0x8e: {  	[hbm4b:s5+s1] =	stream.indirect_vreg.scatter [tilespmem:s22], [sflag:$0x4], $0x80, v4, vm0, $0xb8;
	[tilespmem:$0x10100] =	vst v63  }
0x8f: {  	s22 =	simm.s32 $0xD100  }
0x90: {  	[hbm4b:s3+s1] =	stream.indirect_vreg.scatter [tilespmem:s22], [sflag:$0x4], $0x80, v3, vm0, $0xb8;
	[tilespmem:$0x10100] =	vst v63  }
0x91: {  	s22 =	simm.s32 $0xD900  }
0x92: {  	[hbm4b:s5+s1] =	stream.indirect_vreg.scatter [tilespmem:s22], [sflag:$0x4], $0x80, v3, vm0, $0xb8;
	[tilespmem:$0x10100] =	vst v63  }
0x93: {  	v3 =	vld [tilespmem:$0xB0];
	_ =	sdelay $0x4  }
0x94: {  	v55 =	vshll.u32 v3, $0x2  }
0x95: {  	v3 =	vand.u32 $0x7, v3;
	v4 =	vand.u32 $0xFFFFFFE0, v55  }
0x96: {  	v3 =	vor.u32 v3, v4  }
0x97: {  	v4 =	vperm.xlane v3, v0;
	_ =	sdelay $0x1  }
0x98: {  	v4 =	vadd.s32 v1, v4;
	_ =	sdelay $0x1  }
0x99: {  	v3 =	vperm.xlane v3, v2;
	_ =	sdelay $0x1  }
0x9a: {  	s22 =	simm.s32 $0xE100;
	v3 =	vadd.s32 v1, v3  }
0x9b: {  	[hbm4b:s3+s1] =	stream.indirect_vreg.scatter [tilespmem:s22], [sflag:$0x4], $0x80, v4, vm0, $0xb8;
	[tilespmem:$0x10100] =	vst v63  }
0x9c: {  	s22 =	simm.s32 $0xE900  }
0x9d: {  	[hbm4b:s5+s1] =	stream.indirect_vreg.scatter [tilespmem:s22], [sflag:$0x4], $0x80, v4, vm0, $0xb8;
	[tilespmem:$0x10100] =	vst v63  }
0x9e: {  	s22 =	simm.s32 $0xF100  }
0x9f: {  	[hbm4b:s3+s1] =	stream.indirect_vreg.scatter [tilespmem:s22], [sflag:$0x4], $0x80, v3, vm0, $0xb8;
	[tilespmem:$0x10100] =	vst v63  }
0xa0: {  	s22 =	simm.s32 $0xF900  }
0xa1: {  	[hbm4b:s5+s1] =	stream.indirect_vreg.scatter [tilespmem:s22], [sflag:$0x4], $0x80, v3, vm0, $0xb8;
	[tilespmem:$0x10100] =	vst v63  }
0xa2: {  	_ =	swait.ge [sflag:s20], $0x8000  }
0xa3: {  	[sflag:s20] =	ssyncset.done $0x0  }
0xa4: {  	[sflag:s20] =	ssyncadd.s32 $0xFFFF8000  }
0xa5: {  	[tilespmem:s25], [sflag:$0x1] =	stream.linear.gather [hbm4b:s6+s1], $0x8000, $0x38;
	[tilespmem:$0x10100] =	vst v63  }
0xa6: {  	s22 =	rddreg [dreg:$0x5]  }
0xa7: {  	[tilespmem:s1], [sflag:$0x1] =	stream.linear.gather [hbm4b:s22+s1], $0x40, $0x38;
	[tilespmem:$0x10100] =	vst v63  }
0xa8: {  	_ =	swait.ge [sflag:s9], $0x8000  }
0xa9: {  	[sflag:s9] =	ssyncset.done $0x0  }
0xaa: {  	[sflag:s9] =	ssyncadd.s32 $0xFFFF8000  }
0xab: {  	_ =	swait.ge [sflag:s9], $0x40  }
0xac: {  	[sflag:s9] =	ssyncset.done $0x0  }
0xad: {  	[sflag:s9] =	ssyncadd.s32 $0xFFFFFFC0  }
0xae: {  	v3 =	vld [tilespmem:$0x0];
	_ =	sdelay $0x4  }
0xaf: {  	v56 =	vshll.u32 v3, $0x2  }
0xb0: {  	v3 =	vand.u32 $0x7, v3;
	v4 =	vand.u32 $0xFFFFFFE0, v56  }
0xb1: {  	v3 =	vor.u32 v3, v4  }
0xb2: {  	v4 =	vperm.xlane v3, v0;
	_ =	sdelay $0x1  }
0xb3: {  	v4 =	vadd.s32 v1, v4;
	_ =	sdelay $0x1  }
0xb4: {  	v3 =	vperm.xlane v3, v2;
	_ =	sdelay $0x1  }
0xb5: {  	v3 =	vadd.s32 v1, v3  }
0xb6: {  	[hbm4b:s3+s1] =	stream.indirect_vreg.scatter [tilespmem:s25], [sflag:$0x3], $0x80, v4, vm0, $0xb8;
	[tilespmem:$0x10100] =	vst v63  }
0xb7: {  	_ = 	snop  }
0xb8: {  	[hbm4b:s5+s1] =	stream.indirect_vreg.scatter [tilespmem:s23], [sflag:$0x3], $0x80, v4, vm0, $0xb8;
	[tilespmem:$0x10100] =	vst v63  }
0xb9: {  	_ = 	snop  }
0xba: {  	[hbm4b:s3+s1] =	stream.indirect_vreg.scatter [tilespmem:s24], [sflag:$0x3], $0x80, v3, vm0, $0xb8;
	[tilespmem:$0x10100] =	vst v63  }
0xbb: {  	_ = 	snop  }
0xbc: {  	[hbm4b:s5+s1] =	stream.indirect_vreg.scatter [tilespmem:s26], [sflag:$0x3], $0x80, v3, vm0, $0xb8;
	[tilespmem:$0x10100] =	vst v63  }
0xbd: {  	v3 =	vld [tilespmem:$0x10];
	_ =	sdelay $0x4  }
0xbe: {  	v57 =	vshll.u32 v3, $0x2  }
0xbf: {  	v3 =	vand.u32 $0x7, v3;
	v4 =	vand.u32 $0xFFFFFFE0, v57  }
0xc0: {  	v3 =	vor.u32 v3, v4  }
0xc1: {  	v4 =	vperm.xlane v3, v0;
	_ =	sdelay $0x1  }
0xc2: {  	v4 =	vadd.s32 v1, v4;
	_ =	sdelay $0x1  }
0xc3: {  	v3 =	vperm.xlane v3, v2;
	_ =	sdelay $0x1  }
0xc4: {  	v3 =	vadd.s32 v1, v3  }
0xc5: {  	[hbm4b:s3+s1] =	stream.indirect_vreg.scatter [tilespmem:s29], [sflag:$0x3], $0x80, v4, vm0, $0xb8;
	[tilespmem:$0x10100] =	vst v63  }
0xc6: {  	_ = 	snop  }
0xc7: {  	[hbm4b:s5+s1] =	stream.indirect_vreg.scatter [tilespmem:s30], [sflag:$0x3], $0x80, v4, vm0, $0xb8;
	[tilespmem:$0x10100] =	vst v63  }
0xc8: {  	_ = 	snop  }
0xc9: {  	[hbm4b:s3+s1] =	stream.indirect_vreg.scatter [tilespmem:s31], [sflag:$0x3], $0x80, v3, vm0, $0xb8;
	[tilespmem:$0x10100] =	vst v63  }
0xca: {  	_ = 	snop  }
0xcb: {  	[hbm4b:s5+s1] =	stream.indirect_vreg.scatter [tilespmem:s4], [sflag:$0x3], $0x80, v3, vm0, $0xb8;
	[tilespmem:$0x10100] =	vst v63  }
0xcc: {  	v3 =	vld [tilespmem:$0x20];
	_ =	sdelay $0x4  }
0xcd: {  	v58 =	vshll.u32 v3, $0x2  }
0xce: {  	v3 =	vand.u32 $0x7, v3;
	v4 =	vand.u32 $0xFFFFFFE0, v58  }
0xcf: {  	v3 =	vor.u32 v3, v4  }
0xd0: {  	v4 =	vperm.xlane v3, v0;
	_ =	sdelay $0x1  }
0xd1: {  	v4 =	vadd.s32 v1, v4;
	_ =	sdelay $0x1  }
0xd2: {  	v3 =	vperm.xlane v3, v2;
	_ =	sdelay $0x1  }
0xd3: {  	v3 =	vadd.s32 v1, v3  }
0xd4: {  	[hbm4b:s3+s1] =	stream.indirect_vreg.scatter [tilespmem:s2], [sflag:$0x3], $0x80, v4, vm0, $0xb8;
	[tilespmem:$0x10100] =	vst v63  }
0xd5: {  	_ = 	snop  }
0xd6: {  	[hbm4b:s5+s1] =	stream.indirect_vreg.scatter [tilespmem:s10], [sflag:$0x3], $0x80, v4, vm0, $0xb8;
	[tilespmem:$0x10100] =	vst v63  }
0xd7: {  	_ = 	snop  }
0xd8: {  	[hbm4b:s3+s1] =	stream.indirect_vreg.scatter [tilespmem:s11], [sflag:$0x3], $0x80, v3, vm0, $0xb8;
	[tilespmem:$0x10100] =	vst v63  }
0xd9: {  	_ = 	snop  }
0xda: {  	[hbm4b:s5+s1] =	stream.indirect_vreg.scatter [tilespmem:s12], [sflag:$0x3], $0x80, v3, vm0, $0xb8;
	[tilespmem:$0x10100] =	vst v63  }
0xdb: {  	v3 =	vld [tilespmem:$0x30];
	_ =	sdelay $0x4  }
0xdc: {  	v59 =	vshll.u32 v3, $0x2  }
0xdd: {  	v3 =	vand.u32 $0x7, v3;
	v4 =	vand.u32 $0xFFFFFFE0, v59  }
0xde: {  	v3 =	vor.u32 v3, v4  }
0xdf: {  	v4 =	vperm.xlane v3, v0;
	_ =	sdelay $0x1  }
0xe0: {  	v4 =	vadd.s32 v1, v4;
	_ =	sdelay $0x1  }
0xe1: {  	v3 =	vperm.xlane v3, v2;
	_ =	sdelay $0x1  }
0xe2: {  	v3 =	vadd.s32 v1, v3  }
0xe3: {  	[hbm4b:s3+s1] =	stream.indirect_vreg.scatter [tilespmem:s13], [sflag:$0x3], $0x80, v4, vm0, $0xb8;
	[tilespmem:$0x10100] =	vst v63  }
0xe4: {  	_ = 	snop  }
0xe5: {  	[hbm4b:s5+s1] =	stream.indirect_vreg.scatter [tilespmem:s14], [sflag:$0x3], $0x80, v4, vm0, $0xb8;
	[tilespmem:$0x10100] =	vst v63  }
0xe6: {  	_ = 	snop  }
0xe7: {  	[hbm4b:s3+s1] =	stream.indirect_vreg.scatter [tilespmem:s15], [sflag:$0x3], $0x80, v3, vm0, $0xb8;
	[tilespmem:$0x10100] =	vst v63  }
0xe8: {  	_ = 	snop  }
0xe9: {  	[hbm4b:s5+s1] =	stream.indirect_vreg.scatter [tilespmem:s16], [sflag:$0x3], $0x80, v3, vm0, $0xb8;
	[tilespmem:$0x10100] =	vst v63  }
0xea: {  	_ =	swait.ge [sflag:s21], $0x8000  }
0xeb: {  	[sflag:s21] =	ssyncset.done $0x0  }
0xec: {  	[sflag:s21] =	ssyncadd.s32 $0xFFFF8000  }
0xed: {  	[tilespmem:s0], [sflag:$0x2] =	stream.linear.gather [hbm4b:s8+s1], $0x8000, $0x38;
	[tilespmem:$0x10100] =	vst v63  }
0xee: {  	s6 =	rddreg [dreg:$0x6]  }
0xef: {  	[tilespmem:s17], [sflag:$0x2] =	stream.linear.gather [hbm4b:s6+s1], $0x40, $0x38;
	[tilespmem:$0x10100] =	vst v63  }
0xf0: {  	_ =	swait.ge [sflag:s28], $0x8000  }
0xf1: {  	[sflag:s28] =	ssyncset.done $0x0  }
0xf2: {  	[sflag:s28] =	ssyncadd.s32 $0xFFFF8000  }
0xf3: {  	_ =	swait.ge [sflag:s28], $0x40  }
0xf4: {  	[sflag:s28] =	ssyncset.done $0x0  }
0xf5: {  	[sflag:s28] =	ssyncadd.s32 $0xFFFFFFC0  }
0xf6: {  	v3 =	vld [tilespmem:$0x80];
	_ =	sdelay $0x4  }
0xf7: {  	v60 =	vshll.u32 v3, $0x2  }
0xf8: {  	v3 =	vand.u32 $0x7, v3;
	v4 =	vand.u32 $0xFFFFFFE0, v60  }
0xf9: {  	v3 =	vor.u32 v3, v4  }
0xfa: {  	v4 =	vperm.xlane v3, v0;
	_ =	sdelay $0x1  }
0xfb: {  	v4 =	vadd.s32 v1, v4;
	_ =	sdelay $0x1  }
0xfc: {  	v3 =	vperm.xlane v3, v2;
	_ =	sdelay $0x1  }
0xfd: {  	v3 =	vadd.s32 v1, v3  }
0xfe: {  	[hbm4b:s3+s1] =	stream.indirect_vreg.scatter [tilespmem:s0], [sflag:$0x4], $0x80, v4, vm0, $0xb8;
	[tilespmem:$0x10100] =	vst v63  }
0xff: {  	_ = 	snop  }
0x100: {  	[hbm4b:s5+s1] =	stream.indirect_vreg.scatter [tilespmem:s18], [sflag:$0x4], $0x80, v4, vm0, $0xb8;
	[tilespmem:$0x10100] =	vst v63  }
0x101: {  	_ = 	snop  }
0x102: {  	[hbm4b:s3+s1] =	stream.indirect_vreg.scatter [tilespmem:s19], [sflag:$0x4], $0x80, v3, vm0, $0xb8;
	[tilespmem:$0x10100] =	vst v63  }
0x103: {  	s22 =	simm.s32 $0x9900  }
0x104: {  	[hbm4b:s5+s1] =	stream.indirect_vreg.scatter [tilespmem:s22], [sflag:$0x4], $0x80, v3, vm0, $0xb8;
	[tilespmem:$0x10100] =	vst v63  }
0x105: {  	v3 =	vld [tilespmem:$0x90];
	_ =	sdelay $0x4  }
0x106: {  	v61 =	vshll.u32 v3, $0x2  }
0x107: {  	v3 =	vand.u32 $0x7, v3;
	v4 =	vand.u32 $0xFFFFFFE0, v61  }
0x108: {  	v3 =	vor.u32 v3, v4  }
0x109: {  	v4 =	vperm.xlane v3, v0;
	_ =	sdelay $0x1  }
0x10a: {  	v4 =	vadd.s32 v1, v4;
	_ =	sdelay $0x1  }
0x10b: {  	v3 =	vperm.xlane v3, v2;
	_ =	sdelay $0x1  }
0x10c: {  	s6 =	simm.s32 $0xA100;
	v3 =	vadd.s32 v1, v3  }
0x10d: {  	[hbm4b:s3+s1] =	stream.indirect_vreg.scatter [tilespmem:s6], [sflag:$0x4], $0x80, v4, vm0, $0xb8;
	[tilespmem:$0x10100] =	vst v63  }
0x10e: {  	s8 =	simm.s32 $0xA900  }
0x10f: {  	[hbm4b:s5+s1] =	stream.indirect_vreg.scatter [tilespmem:s8], [sflag:$0x4], $0x80, v4, vm0, $0xb8;
	[tilespmem:$0x10100] =	vst v63  }
0x110: {  	s22 =	simm.s32 $0xB100  }
0x111: {  	[hbm4b:s3+s1] =	stream.indirect_vreg.scatter [tilespmem:s22], [sflag:$0x4], $0x80, v3, vm0, $0xb8;
	[tilespmem:$0x10100] =	vst v63  }
0x112: {  	s6 =	simm.s32 $0xB900  }
0x113: {  	[hbm4b:s5+s1] =	stream.indirect_vreg.scatter [tilespmem:s6], [sflag:$0x4], $0x80, v3, vm0, $0xb8;
	[tilespmem:$0x10100] =	vst v63  }
0x114: {  	v3 =	vld [tilespmem:$0xA0];
	_ =	sdelay $0x4  }
0x115: {  	v62 =	vshll.u32 v3, $0x2  }
0x116: {  	v3 =	vand.u32 $0x7, v3;
	v4 =	vand.u32 $0xFFFFFFE0, v62  }
0x117: {  	v3 =	vor.u32 v3, v4  }
0x118: {  	v4 =	vperm.xlane v3, v0;
	_ =	sdelay $0x1  }
0x119: {  	v4 =	vadd.s32 v1, v4;
	_ =	sdelay $0x1  }
0x11a: {  	v3 =	vperm.xlane v3, v2;
	_ =	sdelay $0x1  }
0x11b: {  	s8 =	simm.s32 $0xC100;
	v3 =	vadd.s32 v1, v3  }
0x11c: {  	[hbm4b:s3+s1] =	stream.indirect_vreg.scatter [tilespmem:s8], [sflag:$0x4], $0x80, v4, vm0, $0xb8;
	[tilespmem:$0x10100] =	vst v63  }
0x11d: {  	s22 =	simm.s32 $0xC900  }
0x11e: {  	[hbm4b:s5+s1] =	stream.indirect_vreg.scatter [tilespmem:s22], [sflag:$0x4], $0x80, v4, vm0, $0xb8;
	[tilespmem:$0x10100] =	vst v63  }
0x11f: {  	s6 =	simm.s32 $0xD100  }
0x120: {  	[hbm4b:s3+s1] =	stream.indirect_vreg.scatter [tilespmem:s6], [sflag:$0x4], $0x80, v3, vm0, $0xb8;
	[tilespmem:$0x10100] =	vst v63  }
0x121: {  	s8 =	simm.s32 $0xD900  }
0x122: {  	[hbm4b:s5+s1] =	stream.indirect_vreg.scatter [tilespmem:s8], [sflag:$0x4], $0x80, v3, vm0, $0xb8;
	[tilespmem:$0x10100] =	vst v63  }
0x123: {  	v3 =	vld [tilespmem:$0xB0];
	_ =	sdelay $0x4  }
0x124: {  	v63 =	vshll.u32 v3, $0x2  }
0x125: {  	v3 =	vand.u32 $0x7, v3;
	v4 =	vand.u32 $0xFFFFFFE0, v63  }
0x126: {  	v3 =	vor.u32 v3, v4  }
0x127: {  	v4 =	vperm.xlane v3, v0;
	_ =	sdelay $0x1  }
0x128: {  	v4 =	vadd.s32 v1, v4;
	_ =	sdelay $0x1  }
0x129: {  	v3 =	vperm.xlane v3, v2;
	_ =	sdelay $0x1  }
0x12a: {  	s22 =	simm.s32 $0xE100;
	v3 =	vadd.s32 v1, v3  }
0x12b: {  	[hbm4b:s3+s1] =	stream.indirect_vreg.scatter [tilespmem:s22], [sflag:$0x4], $0x80, v4, vm0, $0xb8;
	[tilespmem:$0x10100] =	vst v63  }
0x12c: {  	s6 =	simm.s32 $0xE900  }
0x12d: {  	[hbm4b:s5+s1] =	stream.indirect_vreg.scatter [tilespmem:s6], [sflag:$0x4], $0x80, v4, vm0, $0xb8;
	[tilespmem:$0x10100] =	vst v63  }
0x12e: {  	s8 =	simm.s32 $0xF100  }
0x12f: {  	[hbm4b:s3+s1] =	stream.indirect_vreg.scatter [tilespmem:s8], [sflag:$0x4], $0x80, v3, vm0, $0xb8;
	[tilespmem:$0x10100] =	vst v63  }
0x130: {  	s22 =	simm.s32 $0xF900  }
0x131: {  	[hbm4b:s5+s1] =	stream.indirect_vreg.scatter [tilespmem:s22], [sflag:$0x4], $0x80, v3, vm0, $0xb8;
	[tilespmem:$0x10100] =	vst v63  }
0x132: {  	p0 =	sne.s32 s7, $0x1;
	_ =	swait.ge [sflag:s21], $0x8000  }
.Ltmp0:
0x133: {  	[sflag:s21] =	ssyncset.done $0x0;
	(pc) =	sbr.rel @p0 .LBB2_1-.Ltmp0, $4  }
0x134: {  	[sflag:s21] =	ssyncadd.s32 $0xFFFF8000  }
0x135: {  	_ =	swait.ge [sflag:s20], $0x8000  }
0x136: {  	[sflag:s20] =	ssyncset.done $0x0  }
0x137: {  	s7 =	sadd.s32 $0xFFFFFFFF, s7;
	[sflag:s20] =	ssyncadd.s32 $0xFFFF8000  }
0x138: {  	_ =	sfence.sel $0x180000  }
0x139: {  	[bflag:$0x0] =	sbarrier.arrive $0xFFFF  }
0x13a: {  	_ =	strace $0x90000047  }
0x13b: {  	s0 =	stileid.u32;
	[bflag:$0x2] =	sbarrier.arrive $0xFFFF  }
0x13c: {  	p0 =	sne.s32 s0, $0x0;
	s0 =	rddreg [dreg:$0x2]  }
0x13d: {  	s0 =	sadd.s32 @!p0 $0x100000, s0  }
0x13e: {  	[sflag:s0] =	ssyncadd.tile.s32 @!p0 $0x1;
	_ =	shalt  }
.Lfunc_end2:
_tile_overlayer_lowered:
.L_overlay_start_2:
0x13f: {  	(tag) =	ssettag $0x2  }
0x140: {  	s0 =	rddreg [dreg:$0x0];
	s2 =	stileid.u32  }
0x141: {  	s1 =	rddreg [dreg:$0x1];
	p0 =	sne.s32 s2, $0x0  }
0x142: {  	s3 =	rddreg [dreg:$0x2];
	[bflag:$0x3] =	sbarrier.arrive $0xFFFF;
	s2 =	simm.s32 @!p0 $0x1C05  }
0x143: {  	[timem:s3], [sflag:s2] =	dma.local @!p0 [hbm:s0], s1  }
0x144: {  	s0 =	simm.s32 @!p0 $0x5  }
0x145: {  	_ =	swait.ge @!p0 [sflag:s0], s1  }
0x146: {  	s1 =	ssub.s32 @!p0 $0x0, s1;
	[sflag:s0] =	ssyncset.done @!p0 $0x0  }
0x147: {  	[sflag:s0] =	ssyncadd.s32 @!p0 s1  }
0x148: {  	[bflag:$0x3] =	sbarrier.arrive $0xFFFF  }
0x149: {  	_ =	shalt  }

</sc_bundles>
